<compile_context>
chip_gen: v7x
topology: tpu7x:2x2x1
jax: 0.10.2.dev20260603
libtpu: 0.0.44.dev20260713+nightly
codegen_flags: <defaults>
</compile_context>

<pallas_src>
import functools

import jax
import jax.numpy as jnp
from jax import lax
from jax.experimental import pallas as pl
from jax.experimental.pallas import tpu as pltpu
from jax.experimental.pallas import tpu_sc as plsc

N_NODES = 10000
N_EDGES = 320000
DIM = 128
LANES = 16
NUM_CORES = 2
NUM_SUBCORES = 16
NUM_WORKERS = NUM_CORES * NUM_SUBCORES
EDGES_PER_WORKER = N_EDGES // NUM_WORKERS
CHUNK = 80
NUM_CHUNKS = EDGES_PER_WORKER // CHUNK
ROW_CHUNK = 80
NUM_ROW_CHUNKS = N_NODES // ROW_CHUNK
ROW_ITERS = -(-NUM_ROW_CHUNKS // NUM_SUBCORES)
BN_EPS = 1e-5
EPS_GIN = 0.0


def _sc_body(src_hbm, dst_hbm, x_hbm, ea_hbm, out_hbm,
             sx0, dx0, dxs0, sx1, dx1, dxs1, xr0, ea0, xr1, ea1, agg_sh,
             ss0, ds0, gs0, es0, sc0, ss1, ds1, gs1, es1, sc1):
    cid = lax.axis_index("c")
    sid = lax.axis_index("s")
    wid = cid * NUM_SUBCORES + sid
    base = wid * EDGES_PER_WORKER

    zeros16 = jnp.zeros((LANES,), jnp.float32)

    def zero_body(k, carry):
        for i in range(DIM // LANES):
            ea0[k, pl.ds(i * LANES, LANES)] = zeros16
        return carry

    lax.fori_loop(0, CHUNK, zero_body, 0)

    def zero_chunk(j, carry):
        c = j * NUM_SUBCORES + sid

        @pl.when(c < NUM_ROW_CHUNKS)
        def _():
            pltpu.sync_copy(ea0, agg_sh.at[pl.ds(c * ROW_CHUNK, ROW_CHUNK)])

        return carry

    lax.fori_loop(0, ROW_ITERS, zero_chunk, 0)

    bufs = ((sx0, dx0, dxs0, xr0, ea0, ss0, ds0, gs0, es0, sc0),
            (sx1, dx1, dxs1, xr1, ea1, ss1, ds1, gs1, es1, sc1))

    def issue_idx_ea(c, sx, dx, ea, ssem, dsem, esem):
        e0 = base + c * CHUNK
        pltpu.async_copy(src_hbm.at[pl.ds(e0, CHUNK)], sx, ssem)
        pltpu.async_copy(dst_hbm.at[pl.ds(e0, CHUNK)], dx, dsem)
        pltpu.async_copy(ea_hbm.at[pl.ds(e0, CHUNK)], ea, esem)

    def wait_src_idx(c, sx, ssem):
        e0 = base + c * CHUNK
        pltpu.make_async_copy(src_hbm.at[pl.ds(e0, CHUNK)], sx, ssem).wait()

    def wait_dst_idx(c, dx, dsem):
        e0 = base + c * CHUNK
        pltpu.make_async_copy(dst_hbm.at[pl.ds(e0, CHUNK)], dx, dsem).wait()

    def compute(xr, ea):
        @plsc.parallel_loop(0, CHUNK, unroll=4)
        def _(k):
            for i in range(DIM // LANES):
                sl = pl.ds(i * LANES, LANES)
                xr[k, sl] = jnp.maximum(xr[k, sl] + ea[k, sl], 0.0)

    def stage(b, c):
        sx, dx, dxs, xr, ea, ssem, dsem, gsem, esem, scsem = bufs[b]
        sxn, dxn, dxsn, xrn, ean, ssemn, dsemn, gsemn, esemn, scsemn = \
            bufs[1 - b]
        e0 = base + c * CHUNK
        pltpu.make_async_copy(x_hbm.at[sx], xr, gsem).wait()

        @pl.when(c + 1 < NUM_CHUNKS)
        def _():
            @pl.when(c >= 1)
            def _():
                pltpu.make_async_copy(
                    xrn, agg_sh.at[dxsn], scsemn).wait()

            wait_src_idx(c + 1, sxn, ssemn)
            pltpu.async_copy(x_hbm.at[sxn], xrn, gsemn)

        pltpu.make_async_copy(ea_hbm.at[pl.ds(e0, CHUNK)], ea, esem).wait()
        compute(xr, ea)
        wait_dst_idx(c, dx, dsem)
        for i in range(CHUNK // LANES):
            sl = pl.ds(i * LANES, LANES)
            dxs[sl] = dx[sl]
        pltpu.async_copy(xr, agg_sh.at[dxs], scsem, add=True)

        @pl.when(c + 2 < NUM_CHUNKS)
        def _():
            issue_idx_ea(c + 2, sx, dx, ea, ssem, dsem, esem)

    issue_idx_ea(0, sx0, dx0, ea0, ss0, ds0, es0)
    wait_src_idx(0, sx0, ss0)
    pltpu.async_copy(x_hbm.at[sx0], xr0, gs0)
    issue_idx_ea(1, sx1, dx1, ea1, ss1, ds1, es1)

    plsc.subcore_barrier()

    def body(c, carry):
        @pl.when(c % 2 == 0)
        def _():
            stage(0, c)

        @pl.when(c % 2 == 1)
        def _():
            stage(1, c)

        return carry

    lax.fori_loop(0, NUM_CHUNKS, body, 0)

    pltpu.make_async_copy(xr1, agg_sh.at[dxs1], sc1).wait()
    pltpu.make_async_copy(xr0, agg_sh.at[dxs0], sc0).wait()

    plsc.subcore_barrier()

    def write_chunk(j, carry):
        c = j * NUM_SUBCORES + sid

        @pl.when(c < NUM_ROW_CHUNKS)
        def _():
            pltpu.sync_copy(agg_sh.at[pl.ds(c * ROW_CHUNK, ROW_CHUNK)],
                            out_hbm.at[cid, pl.ds(c * ROW_CHUNK, ROW_CHUNK)])

        return carry

    lax.fori_loop(0, ROW_ITERS, write_chunk, 0)


_sc_aggregate = functools.partial(
    pl.kernel,
    out_type=jax.ShapeDtypeStruct((NUM_CORES, N_NODES, DIM), jnp.float32),
    mesh=plsc.VectorSubcoreMesh(core_axis_name="c", subcore_axis_name="s"),
    scratch_types=[
        pltpu.VMEM((CHUNK,), jnp.int32),
        pltpu.VMEM((CHUNK,), jnp.int32),
        pltpu.VMEM((CHUNK,), jnp.int32),
        pltpu.VMEM((CHUNK,), jnp.int32),
        pltpu.VMEM((CHUNK,), jnp.int32),
        pltpu.VMEM((CHUNK,), jnp.int32),
        pltpu.VMEM((CHUNK, DIM), jnp.float32),
        pltpu.VMEM((CHUNK, DIM), jnp.float32),
        pltpu.VMEM((CHUNK, DIM), jnp.float32),
        pltpu.VMEM((CHUNK, DIM), jnp.float32),
        pltpu.VMEM_SHARED((N_NODES, DIM), jnp.float32),
        pltpu.SemaphoreType.DMA,
        pltpu.SemaphoreType.DMA,
        pltpu.SemaphoreType.DMA,
        pltpu.SemaphoreType.DMA,
        pltpu.SemaphoreType.DMA,
        pltpu.SemaphoreType.DMA,
        pltpu.SemaphoreType.DMA,
        pltpu.SemaphoreType.DMA,
        pltpu.SemaphoreType.DMA,
        pltpu.SemaphoreType.DMA,
    ],
)(_sc_body)


def _tc_body(x_ref, p_ref, w1_ref, b1_ref, g_ref, be_ref, w2_ref, b2_ref,
             o_ref):
    h = (1.0 + EPS_GIN) * x_ref[...] + p_ref[0] + p_ref[1]
    h1 = jnp.dot(h, w1_ref[...], preferred_element_type=jnp.float32)
    h1 = jnp.maximum(h1 + b1_ref[...], 0.0)
    mean = jnp.mean(h1, axis=0, keepdims=True)
    var = jnp.mean(jnp.square(h1 - mean), axis=0, keepdims=True)
    hn = (h1 - mean) * lax.rsqrt(var + BN_EPS) * g_ref[...] + be_ref[...]
    o_ref[...] = (jnp.dot(hn, w2_ref[...], preferred_element_type=jnp.float32)
                  + b2_ref[...])


def kernel(x, edge_index, edge_attr, W1, b1, gamma, beta, W2, b2):
    partials = _sc_aggregate(edge_index[0], edge_index[1], x, edge_attr)
    return pl.pallas_call(
        _tc_body,
        out_shape=jax.ShapeDtypeStruct((N_NODES, DIM), jnp.float32),
    )(x, partials, W1, b1.reshape(1, DIM), gamma.reshape(1, DIM),
      beta.reshape(1, DIM), W2, b2.reshape(1, DIM))

# --- scband reference (transcript-rebuilt; emitter-appended) ---
"""Pipeline reference for scband-gineconv-graph-gym-layer-24902220383106 (READ-ONLY COPY).

The authoritative reference and input builder live on the scoring server;
editing this copy changes nothing except your own understanding.
"""

import jax, jax.numpy as jnp
import numpy as np

N = 10000
E = 320000
D = 128
EPS_GIN = 0.0
BN_EPS = 1e-5


def setup_inputs(seed: int = 0) -> dict:
    key = jax.random.key(seed)
    ks = jax.random.split(key, 8)
    x = jax.random.normal(ks[0], (N, D), dtype=jnp.float32)
    edge_index = jax.random.randint(ks[1], (2, E), 0, N, dtype=jnp.int32)
    edge_attr = jax.random.normal(ks[2], (E, D), dtype=jnp.float32)
    W1 = jax.random.normal(ks[3], (D, D), dtype=jnp.float32) * 0.05
    b1 = jnp.zeros((D,), dtype=jnp.float32)
    gamma = jnp.ones((D,), dtype=jnp.float32)
    beta = jnp.zeros((D,), dtype=jnp.float32)
    W2 = jax.random.normal(ks[4], (D, D), dtype=jnp.float32) * 0.05
    b2 = jnp.zeros((D,), dtype=jnp.float32)
    return {"x": x, "edge_index": edge_index, "edge_attr": edge_attr,
            "W1": W1, "b1": b1, "gamma": gamma, "beta": beta,
            "W2": W2, "b2": b2}


def reference(x, edge_index, edge_attr, W1, b1, gamma, beta, W2, b2):
    # GINEConv: out_i = nn((1+eps)*x_i + sum_{j->i} relu(x_j + e_ji))
    src = edge_index[0]
    dst = edge_index[1]
    msg = jax.nn.relu(jnp.take(x, src, axis=0) + edge_attr)
    agg = jax.ops.segment_sum(msg, dst, num_segments=N)
    h = (1.0 + EPS_GIN) * x + agg
    # gin_nn: Linear -> ReLU -> BatchNorm1d (training mode, batch stats) -> Linear
    h1 = h @ W1 + b1
    h1 = jax.nn.relu(h1)
    mean = jnp.mean(h1, axis=0)
    var = jnp.var(h1, axis=0)
    hn = (h1 - mean) / jnp.sqrt(var + BN_EPS) * gamma + beta
    out = hn @ W2 + b2
    return out

if __name__ == "__main__":
    import jax
    _d = setup_inputs()
    print(jax.jit(kernel)(*tuple(_d.values())))

</pallas_src>

<mosaic_0001>
#map = affine_map<(d0, d1) -> (0)>
#map1 = affine_map<(d0, d1) -> (0, 0)>
#map2 = affine_map<(d0, d1) -> (0, 0, 0)>
module attributes {stable_mosaic.version = 14 : i64} {
  func.func @_sc_body(%arg0: i32, %arg1: i32, %arg2: memref<320000xi32, #tpu.memory_space<hbm>>, %arg3: memref<320000xi32, #tpu.memory_space<hbm>>, %arg4: memref<10000x128xf32, #tpu.memory_space<hbm>>, %arg5: memref<320000x128xf32, #tpu.memory_space<hbm>>, %arg6: memref<2x10000x128xf32, #tpu.memory_space<hbm>>, %arg7: memref<80xi32, #tpu.memory_space<vmem>>, %arg8: memref<80xi32, #tpu.memory_space<vmem>>, %arg9: memref<80xi32, #tpu.memory_space<vmem>>, %arg10: memref<80xi32, #tpu.memory_space<vmem>>, %arg11: memref<80xi32, #tpu.memory_space<vmem>>, %arg12: memref<80xi32, #tpu.memory_space<vmem>>, %arg13: memref<80x128xf32, #tpu.memory_space<vmem>>, %arg14: memref<80x128xf32, #tpu.memory_space<vmem>>, %arg15: memref<80x128xf32, #tpu.memory_space<vmem>>, %arg16: memref<80x128xf32, #tpu.memory_space<vmem>>, %arg17: memref<10000x128xf32, #tpu.memory_space<vmem_shared>>, %arg18: memref<!tpu.dma_semaphore, #tpu.memory_space<semaphore_mem>>, %arg19: memref<!tpu.dma_semaphore, #tpu.memory_space<semaphore_mem>>, %arg20: memref<!tpu.dma_semaphore, #tpu.memory_space<semaphore_mem>>, %arg21: memref<!tpu.dma_semaphore, #tpu.memory_space<semaphore_mem>>, %arg22: memref<!tpu.dma_semaphore, #tpu.memory_space<semaphore_mem>>, %arg23: memref<!tpu.dma_semaphore, #tpu.memory_space<semaphore_mem>>, %arg24: memref<!tpu.dma_semaphore, #tpu.memory_space<semaphore_mem>>, %arg25: memref<!tpu.dma_semaphore, #tpu.memory_space<semaphore_mem>>, %arg26: memref<!tpu.dma_semaphore, #tpu.memory_space<semaphore_mem>>, %arg27: memref<!tpu.dma_semaphore, #tpu.memory_space<semaphore_mem>>) attributes {dimension_semantics = [#tpu.dimension_semantics<core_parallel>, #tpu.dimension_semantics<subcore_parallel>], iteration_bounds = array<i64: 2, 16>, scalar_prefetch = 0 : i64, scratch_operands = 21 : i64, tpu.core_type = #tpu.core_type<sc_vector_subcore>, window_params = [{transform_indices = #map}, {transform_indices = #map}, {transform_indices = #map1}, {transform_indices = #map1}, {transform_indices = #map2}]} {
    %mul3A = arith.constant 16 : i32
    %mul3A_0 = arith.muli %arg0, %mul3A : i32
    %add3A = arith.addi %mul3A_0, %arg1 : i32
    %mul3A_1 = arith.constant 10000 : i32
    %mul3A_2 = arith.muli %add3A, %mul3A_1 : i32
    %broadcast_in_dim3A = arith.constant 0.000000e+00 : f32
    %broadcast_in_dim3A_3 = vector.broadcast %broadcast_in_dim3A : f32 to vector<16xf32>
    %scan3A = arith.constant 0 : i32
    %scan3A_4 = arith.constant 0 : i32
    %scan3A_5 = arith.constant 80 : i32
    %scan3A_6 = arith.addi %scan3A_4, %scan3A_5 : i32
    %scan3A_7 = arith.constant 1 : i32
    scf.for %scan3A_59 = %scan3A_4 to %scan3A_6 step %scan3A_7  : i32 {
      %swap3A = arith.index_cast %scan3A_59 : i32 to index
      %swap3A_60 = arith.constant 0 : index
      %swap3A_61 = tpu.vector_load %arg14[%swap3A, %swap3A_60] {strides = array<i32>} : memref<80x128xf32, #tpu.memory_space<vmem>>, vector<1x16xf32>,
      %swap3A_62 = vector.shape_cast %swap3A_61 : vector<1x16xf32> to vector<16xf32>
      %swap3A_63 = vector.shape_cast %broadcast_in_dim3A_3 : vector<16xf32> to vector<1x16xf32>
      tpu.vector_store %arg14[%swap3A, %swap3A_60], %swap3A_63 {strides = array<i32>} : memref<80x128xf32, #tpu.memory_space<vmem>>, vector<1x16xf32>,
      %swap3A_64 = arith.index_cast %scan3A_59 : i32 to index
      %swap3A_65 = arith.constant 16 : index
      %swap3A_66 = tpu.vector_load %arg14[%swap3A_64, %swap3A_65] {strides = array<i32>} : memref<80x128xf32, #tpu.memory_space<vmem>>, vector<1x16xf32>,
      %swap3A_67 = vector.shape_cast %swap3A_66 : vector<1x16xf32> to vector<16xf32>
      %swap3A_68 = vector.shape_cast %broadcast_in_dim3A_3 : vector<16xf32> to vector<1x16xf32>
      tpu.vector_store %arg14[%swap3A_64, %swap3A_65], %swap3A_68 {strides = array<i32>} : memref<80x128xf32, #tpu.memory_space<vmem>>, vector<1x16xf32>,
      %swap3A_69 = arith.index_cast %scan3A_59 : i32 to index
      %swap3A_70 = arith.constant 32 : index
      %swap3A_71 = tpu.vector_load %arg14[%swap3A_69, %swap3A_70] {strides = array<i32>} : memref<80x128xf32, #tpu.memory_space<vmem>>, vector<1x16xf32>,
      %swap3A_72 = vector.shape_cast %swap3A_71 : vector<1x16xf32> to vector<16xf32>
      %swap3A_73 = vector.shape_cast %broadcast_in_dim3A_3 : vector<16xf32> to vector<1x16xf32>
      tpu.vector_store %arg14[%swap3A_69, %swap3A_70], %swap3A_73 {strides = array<i32>} : memref<80x128xf32, #tpu.memory_space<vmem>>, vector<1x16xf32>,
      %swap3A_74 = arith.index_cast %scan3A_59 : i32 to index
      %swap3A_75 = arith.constant 48 : index
      %swap3A_76 = tpu.vector_load %arg14[%swap3A_74, %swap3A_75] {strides = array<i32>} : memref<80x128xf32, #tpu.memory_space<vmem>>, vector<1x16xf32>,
      %swap3A_77 = vector.shape_cast %swap3A_76 : vector<1x16xf32> to vector<16xf32>
      %swap3A_78 = vector.shape_cast %broadcast_in_dim3A_3 : vector<16xf32> to vector<1x16xf32>
      tpu.vector_store %arg14[%swap3A_74, %swap3A_75], %swap3A_78 {strides = array<i32>} : memref<80x128xf32, #tpu.memory_space<vmem>>, vector<1x16xf32>,
      %swap3A_79 = arith.index_cast %scan3A_59 : i32 to index
      %swap3A_80 = arith.constant 64 : index
      %swap3A_81 = tpu.vector_load %arg14[%swap3A_79, %swap3A_80] {strides = array<i32>} : memref<80x128xf32, #tpu.memory_space<vmem>>, vector<1x16xf32>,
      %swap3A_82 = vector.shape_cast %swap3A_81 : vector<1x16xf32> to vector<16xf32>
      %swap3A_83 = vector.shape_cast %broadcast_in_dim3A_3 : vector<16xf32> to vector<1x16xf32>
      tpu.vector_store %arg14[%swap3A_79, %swap3A_80], %swap3A_83 {strides = array<i32>} : memref<80x128xf32, #tpu.memory_space<vmem>>, vector<1x16xf32>,
      %swap3A_84 = arith.index_cast %scan3A_59 : i32 to index
      %swap3A_85 = arith.constant 80 : index
      %swap3A_86 = tpu.vector_load %arg14[%swap3A_84, %swap3A_85] {strides = array<i32>} : memref<80x128xf32, #tpu.memory_space<vmem>>, vector<1x16xf32>,
      %swap3A_87 = vector.shape_cast %swap3A_86 : vector<1x16xf32> to vector<16xf32>
      %swap3A_88 = vector.shape_cast %broadcast_in_dim3A_3 : vector<16xf32> to vector<1x16xf32>
      tpu.vector_store %arg14[%swap3A_84, %swap3A_85], %swap3A_88 {strides = array<i32>} : memref<80x128xf32, #tpu.memory_space<vmem>>, vector<1x16xf32>,
      %swap3A_89 = arith.index_cast %scan3A_59 : i32 to index
      %swap3A_90 = arith.constant 96 : index
      %swap3A_91 = tpu.vector_load %arg14[%swap3A_89, %swap3A_90] {strides = array<i32>} : memref<80x128xf32, #tpu.memory_space<vmem>>, vector<1x16xf32>,
      %swap3A_92 = vector.shape_cast %swap3A_91 : vector<1x16xf32> to vector<16xf32>
      %swap3A_93 = vector.shape_cast %broadcast_in_dim3A_3 : vector<16xf32> to vector<1x16xf32>
      tpu.vector_store %arg14[%swap3A_89, %swap3A_90], %swap3A_93 {strides = array<i32>} : memref<80x128xf32, #tpu.memory_space<vmem>>, vector<1x16xf32>,
      %swap3A_94 = arith.index_cast %scan3A_59 : i32 to index
      %swap3A_95 = arith.constant 112 : index
      %swap3A_96 = tpu.vector_load %arg14[%swap3A_94, %swap3A_95] {strides = array<i32>} : memref<80x128xf32, #tpu.memory_space<vmem>>, vector<1x16xf32>,
      %swap3A_97 = vector.shape_cast %swap3A_96 : vector<1x16xf32> to vector<16xf32>
      %swap3A_98 = vector.shape_cast %broadcast_in_dim3A_3 : vector<16xf32> to vector<1x16xf32>
      tpu.vector_store %arg14[%swap3A_94, %swap3A_95], %swap3A_98 {strides = array<i32>} : memref<80x128xf32, #tpu.memory_space<vmem>>, vector<1x16xf32>,
    }
    %scan3A_8 = arith.constant 80 : i32
    %scan3A_9 = arith.constant 0 : i32
    %scan3A_10 = arith.constant 0 : i32
    %scan3A_11 = arith.constant 8 : i32
    %scan3A_12 = arith.addi %scan3A_10, %scan3A_11 : i32
    %scan3A_13 = arith.constant 1 : i32
    scf.for %scan3A_59 = %scan3A_10 to %scan3A_12 step %scan3A_13  : i32 {
      %mul3A_60 = arith.constant 16 : i32
      %mul3A_61 = arith.muli %scan3A_59, %mul3A_60 : i32
      %add3A_62 = arith.addi %mul3A_61, %arg1 : i32
      %lt3A = arith.constant 125 : i32
      %lt3A_63 = arith.cmpi slt, %add3A_62, %lt3A : i32
      %convert_element_type3A = arith.extui %lt3A_63 : i1 to i32
      %cond3A = arith.constant 0 : i32
      %cond3A_64 = arith.cmpi ne, %convert_element_type3A, %cond3A : i32
      scf.if %cond3A_64 {
        %mul3A_65 = arith.constant 80 : i32
        %mul3A_66 = arith.muli %add3A_62, %mul3A_65 : i32
        "tpu.region"() ({
          %run_scoped3A = tpu.sem_alloc : memref<!tpu.dma_semaphore, #tpu.memory_space<semaphore_mem>>
          %dma_start3A_67 = arith.constant 0 : i32
          %dma_start3A_68 = tpu.memref_slice %arg17[%mul3A_66, %dma_start3A_67] : memref<10000x128xf32, #tpu.memory_space<vmem_shared>> -> memref<80x128xf32, #tpu.memory_space<vmem_shared>>
          %dma_start3A_69 = arith.constant 0 : i32
          %dma_start3A_70 = tpu.memref_slice %arg17[%mul3A_66, %dma_start3A_69] : memref<10000x128xf32, #tpu.memory_space<vmem_shared>> -> memref<80x128xf32, #tpu.memory_space<vmem_shared>>
          tpu.enqueue_dma source(%arg14 : memref<80x128xf32, #tpu.memory_space<vmem>>) target(%dma_start3A_70 : memref<80x128xf32, #tpu.memory_space<vmem_shared>>) target_semaphore(%run_scoped3A : memref<!tpu.dma_semaphore, #tpu.memory_space<semaphore_mem>>)
          %dma_wait3A_71 = arith.constant 0 : i32
          %dma_wait3A_72 = tpu.memref_slice %arg17[%mul3A_66, %dma_wait3A_71] : memref<10000x128xf32, #tpu.memory_space<vmem_shared>> -> memref<80x128xf32, #tpu.memory_space<vmem_shared>>
          %dma_wait3A_73 = arith.constant 0 : i32
          %dma_wait3A_74 = tpu.memref_slice %arg17[%mul3A_66, %dma_wait3A_73] : memref<10000x128xf32, #tpu.memory_space<vmem_shared>> -> memref<80x128xf32, #tpu.memory_space<vmem_shared>>
          tpu.wait_dma2 semaphore(%run_scoped3A : memref<!tpu.dma_semaphore, #tpu.memory_space<semaphore_mem>>) src(%arg14 : memref<80x128xf32, #tpu.memory_space<vmem>>) dst(%dma_wait3A_74 : memref<80x128xf32, #tpu.memory_space<vmem_shared>>)
          tpu.yield
        }) : () -> ()
      } else {
      }
    }
    %scan3A_14 = arith.constant 8 : i32
    %add3A_15 = arith.constant 0 : i32
    %add3A_16 = arith.addi %mul3A_2, %add3A_15 : i32
    %dma_start3A = tpu.memref_slice %arg2[%add3A_16] : memref<320000xi32, #tpu.memory_space<hbm>> -> memref<80xi32, #tpu.memory_space<hbm>>
    %dma_start3A_17 = tpu.memref_slice %arg2[%add3A_16] : memref<320000xi32, #tpu.memory_space<hbm>> -> memref<80xi32, #tpu.memory_space<hbm>>
    tpu.enqueue_dma source(%dma_start3A_17 : memref<80xi32, #tpu.memory_space<hbm>>) target(%arg7 : memref<80xi32, #tpu.memory_space<vmem>>) target_semaphore(%arg18 : memref<!tpu.dma_semaphore, #tpu.memory_space<semaphore_mem>>)
    %dma_start3A_18 = tpu.memref_slice %arg3[%add3A_16] : memref<320000xi32, #tpu.memory_space<hbm>> -> memref<80xi32, #tpu.memory_space<hbm>>
    %dma_start3A_19 = tpu.memref_slice %arg3[%add3A_16] : memref<320000xi32, #tpu.memory_space<hbm>> -> memref<80xi32, #tpu.memory_space<hbm>>
    tpu.enqueue_dma source(%dma_start3A_19 : memref<80xi32, #tpu.memory_space<hbm>>) target(%arg8 : memref<80xi32, #tpu.memory_space<vmem>>) target_semaphore(%arg19 : memref<!tpu.dma_semaphore, #tpu.memory_space<semaphore_mem>>)
    %dma_start3A_20 = arith.constant 0 : i32
    %dma_start3A_21 = tpu.memref_slice %arg5[%add3A_16, %dma_start3A_20] : memref<320000x128xf32, #tpu.memory_space<hbm>> -> memref<80x128xf32, #tpu.memory_space<hbm>>
    %dma_start3A_22 = arith.constant 0 : i32
    %dma_start3A_23 = tpu.memref_slice %arg5[%add3A_16, %dma_start3A_22] : memref<320000x128xf32, #tpu.memory_space<hbm>> -> memref<80x128xf32, #tpu.memory_space<hbm>>
    tpu.enqueue_dma source(%dma_start3A_23 : memref<80x128xf32, #tpu.memory_space<hbm>>) target(%arg14 : memref<80x128xf32, #tpu.memory_space<vmem>>) target_semaphore(%arg21 : memref<!tpu.dma_semaphore, #tpu.memory_space<semaphore_mem>>)
    %add3A_24 = arith.constant 0 : i32
    %add3A_25 = arith.addi %mul3A_2, %add3A_24 : i32
    %dma_wait3A = tpu.memref_slice %arg2[%add3A_25] : memref<320000xi32, #tpu.memory_space<hbm>> -> memref<80xi32, #tpu.memory_space<hbm>>
    %dma_wait3A_26 = tpu.memref_slice %arg2[%add3A_25] : memref<320000xi32, #tpu.memory_space<hbm>> -> memref<80xi32, #tpu.memory_space<hbm>>
    tpu.wait_dma2 semaphore(%arg18 : memref<!tpu.dma_semaphore, #tpu.memory_space<semaphore_mem>>) src(%dma_wait3A_26 : memref<80xi32, #tpu.memory_space<hbm>>) dst(%arg7 : memref<80xi32, #tpu.memory_space<vmem>>)
    %dma_start3A_27 = arith.constant 0 : i32
    %dma_start3A_28 = arith.constant 0 : i32
    %dma_start3A_29 = tpu.memref_slice %arg4[%dma_start3A_27, %dma_start3A_28] : memref<10000x128xf32, #tpu.memory_space<hbm>> -> memref<10000x128xf32, #tpu.memory_space<hbm>>
    tpu.enqueue_indirect_dma source(%dma_start3A_29 : memref<10000x128xf32, #tpu.memory_space<hbm>>) target(%arg13 : memref<80x128xf32, #tpu.memory_space<vmem>>) offsets(%arg7 : memref<80xi32, #tpu.memory_space<vmem>>) semaphore(%arg20 : memref<!tpu.dma_semaphore, #tpu.memory_space<semaphore_mem>>)
    %add3A_30 = arith.constant 80 : i32
    %add3A_31 = arith.addi %mul3A_2, %add3A_30 : i32
    %dma_start3A_32 = tpu.memref_slice %arg2[%add3A_31] : memref<320000xi32, #tpu.memory_space<hbm>> -> memref<80xi32, #tpu.memory_space<hbm>>
    %dma_start3A_33 = tpu.memref_slice %arg2[%add3A_31] : memref<320000xi32, #tpu.memory_space<hbm>> -> memref<80xi32, #tpu.memory_space<hbm>>
    tpu.enqueue_dma source(%dma_start3A_33 : memref<80xi32, #tpu.memory_space<hbm>>) target(%arg10 : memref<80xi32, #tpu.memory_space<vmem>>) target_semaphore(%arg23 : memref<!tpu.dma_semaphore, #tpu.memory_space<semaphore_mem>>)
    %dma_start3A_34 = tpu.memref_slice %arg3[%add3A_31] : memref<320000xi32, #tpu.memory_space<hbm>> -> memref<80xi32, #tpu.memory_space<hbm>>
    %dma_start3A_35 = tpu.memref_slice %arg3[%add3A_31] : memref<320000xi32, #tpu.memory_space<hbm>> -> memref<80xi32, #tpu.memory_space<hbm>>
    tpu.enqueue_dma source(%dma_start3A_35 : memref<80xi32, #tpu.memory_space<hbm>>) target(%arg11 : memref<80xi32, #tpu.memory_space<vmem>>) target_semaphore(%arg24 : memref<!tpu.dma_semaphore, #tpu.memory_space<semaphore_mem>>)
    %dma_start3A_36 = arith.constant 0 : i32
    %dma_start3A_37 = tpu.memref_slice %arg5[%add3A_31, %dma_start3A_36] : memref<320000x128xf32, #tpu.memory_space<hbm>> -> memref<80x128xf32, #tpu.memory_space<hbm>>
    %dma_start3A_38 = arith.constant 0 : i32
    %dma_start3A_39 = tpu.memref_slice %arg5[%add3A_31, %dma_start3A_38] : memref<320000x128xf32, #tpu.memory_space<hbm>> -> memref<80x128xf32, #tpu.memory_space<hbm>>
    tpu.enqueue_dma source(%dma_start3A_39 : memref<80x128xf32, #tpu.memory_space<hbm>>) target(%arg16 : memref<80x128xf32, #tpu.memory_space<vmem>>) target_semaphore(%arg26 : memref<!tpu.dma_semaphore, #tpu.memory_space<semaphore_mem>>)
    %barrier3A = arith.constant 0 : index
    tpu.barrier barrier_id(%barrier3A)
    %scan3A_40 = arith.constant 0 : i32
    %scan3A_41 = arith.constant 0 : i32
    %scan3A_42 = arith.constant 125 : i32
    %scan3A_43 = arith.addi %scan3A_41, %scan3A_42 : i32
    %scan3A_44 = arith.constant 1 : i32
    scf.for %scan3A_59 = %scan3A_41 to %scan3A_43 step %scan3A_44  : i32 {
      %jit3A = arith.constant 2 : i32
      %eq3A = arith.constant 0 : i32
      %eq3A_60 = arith.cmpi eq, %jit3A, %eq3A : i32
      %jit3A_61 = arith.constant 1 : i32
      %select_n3A = arith.select %eq3A_60, %jit3A_61, %jit3A : i32
      %rem3A = arith.remsi %scan3A_59, %select_n3A : i32
      %ne3A = arith.constant 0 : i32
      %ne3A_62 = arith.cmpi ne, %rem3A, %ne3A : i32
      %lt3A = arith.constant 0 : i32
      %lt3A_63 = arith.cmpi slt, %rem3A, %lt3A : i32
      %lt3A_64 = arith.constant 0 : i32
      %lt3A_65 = arith.cmpi slt, %select_n3A, %lt3A_64 : i32
      %ne3A_66 = arith.xori %lt3A_63, %lt3A_65 : i1
      %and3A = arith.andi %ne3A_66, %ne3A_62 : i1
      %add3A_67 = arith.addi %rem3A, %select_n3A : i32
      %select_n3A_68 = arith.select %and3A, %add3A_67, %rem3A : i32
      %eq3A_69 = arith.constant 0 : i32
      %eq3A_70 = arith.cmpi eq, %select_n3A_68, %eq3A_69 : i32
      %convert_element_type3A = arith.extui %eq3A_70 : i1 to i32
      %cond3A = arith.constant 0 : i32
      %cond3A_71 = arith.cmpi ne, %convert_element_type3A, %cond3A : i32
      scf.if %cond3A_71 {
        %mul3A_93 = arith.constant 80 : i32
        %mul3A_94 = arith.muli %scan3A_59, %mul3A_93 : i32
        %add3A_95 = arith.addi %mul3A_2, %mul3A_94 : i32
        %dma_wait3A_96 = arith.constant 0 : i32
        %dma_wait3A_97 = arith.constant 0 : i32
        %dma_wait3A_98 = tpu.memref_slice %arg4[%dma_wait3A_96, %dma_wait3A_97] : memref<10000x128xf32, #tpu.memory_space<hbm>> -> memref<10000x128xf32, #tpu.memory_space<hbm>>
        tpu.wait_indirect_dma semaphore(%arg20 : memref<!tpu.dma_semaphore, #tpu.memory_space<semaphore_mem>>) src(%dma_wait3A_98 : memref<10000x128xf32, #tpu.memory_space<hbm>>) dst(%arg13 : memref<80x128xf32, #tpu.memory_space<vmem>>)
        %add3A_99 = arith.constant 1 : i32
        %add3A_100 = arith.addi %scan3A_59, %add3A_99 : i32
        %lt3A_101 = arith.constant 125 : i32
        %lt3A_102 = arith.cmpi slt, %add3A_100, %lt3A_101 : i32
        %convert_element_type3A_103 = arith.extui %lt3A_102 : i1 to i32
        %cond3A_104 = arith.constant 0 : i32
        %cond3A_105 = arith.cmpi ne, %convert_element_type3A_103, %cond3A_104 : i32
        scf.if %cond3A_105 {
          %ge3A = arith.constant 1 : i32
          %ge3A_160 = arith.cmpi sge, %scan3A_59, %ge3A : i32
          %convert_element_type3A_161 = arith.extui %ge3A_160 : i1 to i32
          %cond3A_162 = arith.constant 0 : i32
          %cond3A_163 = arith.cmpi ne, %convert_element_type3A_161, %cond3A_162 : i32
          scf.if %cond3A_163 {
            %dma_wait3A_174 = arith.constant 0 : i32
            %dma_wait3A_175 = arith.constant 0 : i32
            %dma_wait3A_176 = tpu.memref_slice %arg17[%dma_wait3A_174, %dma_wait3A_175] : memref<10000x128xf32, #tpu.memory_space<vmem_shared>> -> memref<10000x128xf32, #tpu.memory_space<vmem_shared>>
            tpu.wait_indirect_dma semaphore(%arg27 : memref<!tpu.dma_semaphore, #tpu.memory_space<semaphore_mem>>) src(%arg15 : memref<80x128xf32, #tpu.memory_space<vmem>>) dst(%dma_wait3A_176 : memref<10000x128xf32, #tpu.memory_space<vmem_shared>>)
          } else {
          }
          %add3A_164 = arith.constant 1 : i32
          %add3A_165 = arith.addi %scan3A_59, %add3A_164 : i32
          %mul3A_166 = arith.constant 80 : i32
          %mul3A_167 = arith.muli %add3A_165, %mul3A_166 : i32
          %add3A_168 = arith.addi %mul3A_2, %mul3A_167 : i32
          %dma_wait3A_169 = tpu.memref_slice %arg2[%add3A_168] : memref<320000xi32, #tpu.memory_space<hbm>> -> memref<80xi32, #tpu.memory_space<hbm>>
          %dma_wait3A_170 = tpu.memref_slice %arg2[%add3A_168] : memref<320000xi32, #tpu.memory_space<hbm>> -> memref<80xi32, #tpu.memory_space<hbm>>
          tpu.wait_dma2 semaphore(%arg23 : memref<!tpu.dma_semaphore, #tpu.memory_space<semaphore_mem>>) src(%dma_wait3A_170 : memref<80xi32, #tpu.memory_space<hbm>>) dst(%arg10 : memref<80xi32, #tpu.memory_space<vmem>>)
          %dma_start3A_171 = arith.constant 0 : i32
          %dma_start3A_172 = arith.constant 0 : i32
          %dma_start3A_173 = tpu.memref_slice %arg4[%dma_start3A_171, %dma_start3A_172] : memref<10000x128xf32, #tpu.memory_space<hbm>> -> memref<10000x128xf32, #tpu.memory_space<hbm>>
          tpu.enqueue_indirect_dma source(%dma_start3A_173 : memref<10000x128xf32, #tpu.memory_space<hbm>>) target(%arg15 : memref<80x128xf32, #tpu.memory_space<vmem>>) offsets(%arg10 : memref<80xi32, #tpu.memory_space<vmem>>) semaphore(%arg25 : memref<!tpu.dma_semaphore, #tpu.memory_space<semaphore_mem>>)
        } else {
        }
        %dma_wait3A_106 = arith.constant 0 : i32
        %dma_wait3A_107 = tpu.memref_slice %arg5[%add3A_95, %dma_wait3A_106] : memref<320000x128xf32, #tpu.memory_space<hbm>> -> memref<80x128xf32, #tpu.memory_space<hbm>>
        %dma_wait3A_108 = arith.constant 0 : i32
        %dma_wait3A_109 = tpu.memref_slice %arg5[%add3A_95, %dma_wait3A_108] : memref<320000x128xf32, #tpu.memory_space<hbm>> -> memref<80x128xf32, #tpu.memory_space<hbm>>
        tpu.wait_dma2 semaphore(%arg21 : memref<!tpu.dma_semaphore, #tpu.memory_space<semaphore_mem>>) src(%dma_wait3A_109 : memref<80x128xf32, #tpu.memory_space<hbm>>) dst(%arg14 : memref<80x128xf32, #tpu.memory_space<vmem>>)
        %parallel_loop3A = arith.constant 0 : i32
        %parallel_loop3A_110 = arith.constant 80 : i32
        %parallel_loop3A_111 = arith.constant 1 : i32
        scf.for %parallel_loop3A_160 = %parallel_loop3A to %parallel_loop3A_110 step %parallel_loop3A_111  : i32 {
          %parallel_loop3A_161 = arith.index_cast %parallel_loop3A_160 : i32 to index
          %parallel_loop3A_162 = arith.constant 0 : index
          %parallel_loop3A_163 = tpu.vector_load %arg13[%parallel_loop3A_161, %parallel_loop3A_162] {strides = array<i32>} : memref<80x128xf32, #tpu.memory_space<vmem>>, vector<1x16xf32>,
          %parallel_loop3A_164 = vector.shape_cast %parallel_loop3A_163 : vector<1x16xf32> to vector<16xf32>
          %parallel_loop3A_165 = arith.index_cast %parallel_loop3A_160 : i32 to index
          %parallel_loop3A_166 = arith.constant 0 : index
          %parallel_loop3A_167 = tpu.vector_load %arg14[%parallel_loop3A_165, %parallel_loop3A_166] {strides = array<i32>} : memref<80x128xf32, #tpu.memory_space<vmem>>, vector<1x16xf32>,
          %parallel_loop3A_168 = vector.shape_cast %parallel_loop3A_167 : vector<1x16xf32> to vector<16xf32>
          %parallel_loop3A_169 = arith.addf %parallel_loop3A_164, %parallel_loop3A_168 : vector<16xf32>
          %parallel_loop3A_170 = arith.constant 0.000000e+00 : f32
          %parallel_loop3A_171 = vector.broadcast %parallel_loop3A_170 : f32 to vector<16xf32>
          %parallel_loop3A_172 = arith.maximumf %parallel_loop3A_169, %parallel_loop3A_171 : vector<16xf32>
          %parallel_loop3A_173 = arith.index_cast %parallel_loop3A_160 : i32 to index
          %parallel_loop3A_174 = arith.constant 0 : index
          %parallel_loop3A_175 = tpu.vector_load %arg13[%parallel_loop3A_173, %parallel_loop3A_174] {strides = array<i32>} : memref<80x128xf32, #tpu.memory_space<vmem>>, vector<1x16xf32>,
          %parallel_loop3A_176 = vector.shape_cast %parallel_loop3A_175 : vector<1x16xf32> to vector<16xf32>
          %parallel_loop3A_177 = vector.shape_cast %parallel_loop3A_172 : vector<16xf32> to vector<1x16xf32>
          tpu.vector_store %arg13[%parallel_loop3A_173, %parallel_loop3A_174], %parallel_loop3A_177 {strides = array<i32>} : memref<80x128xf32, #tpu.memory_space<vmem>>, vector<1x16xf32>,
          %parallel_loop3A_178 = arith.index_cast %parallel_loop3A_160 : i32 to index
          %parallel_loop3A_179 = arith.constant 16 : index
          %parallel_loop3A_180 = tpu.vector_load %arg13[%parallel_loop3A_178, %parallel_loop3A_179] {strides = array<i32>} : memref<80x128xf32, #tpu.memory_space<vmem>>, vector<1x16xf32>,
          %parallel_loop3A_181 = vector.shape_cast %parallel_loop3A_180 : vector<1x16xf32> to vector<16xf32>
          %parallel_loop3A_182 = arith.index_cast %parallel_loop3A_160 : i32 to index
          %parallel_loop3A_183 = arith.constant 16 : index
          %parallel_loop3A_184 = tpu.vector_load %arg14[%parallel_loop3A_182, %parallel_loop3A_183] {strides = array<i32>} : memref<80x128xf32, #tpu.memory_space<vmem>>, vector<1x16xf32>,
          %parallel_loop3A_185 = vector.shape_cast %parallel_loop3A_184 : vector<1x16xf32> to vector<16xf32>
          %parallel_loop3A_186 = arith.addf %parallel_loop3A_181, %parallel_loop3A_185 : vector<16xf32>
          %parallel_loop3A_187 = arith.constant 0.000000e+00 : f32
          %parallel_loop3A_188 = vector.broadcast %parallel_loop3A_187 : f32 to vector<16xf32>
          %parallel_loop3A_189 = arith.maximumf %parallel_loop3A_186, %parallel_loop3A_188 : vector<16xf32>
          %parallel_loop3A_190 = arith.index_cast %parallel_loop3A_160 : i32 to index
          %parallel_loop3A_191 = arith.constant 16 : index
          %parallel_loop3A_192 = tpu.vector_load %arg13[%parallel_loop3A_190, %parallel_loop3A_191] {strides = array<i32>} : memref<80x128xf32, #tpu.memory_space<vmem>>, vector<1x16xf32>,
          %parallel_loop3A_193 = vector.shape_cast %parallel_loop3A_192 : vector<1x16xf32> to vector<16xf32>
          %parallel_loop3A_194 = vector.shape_cast %parallel_loop3A_189 : vector<16xf32> to vector<1x16xf32>
          tpu.vector_store %arg13[%parallel_loop3A_190, %parallel_loop3A_191], %parallel_loop3A_194 {strides = array<i32>} : memref<80x128xf32, #tpu.memory_space<vmem>>, vector<1x16xf32>,
          %parallel_loop3A_195 = arith.index_cast %parallel_loop3A_160 : i32 to index
          %parallel_loop3A_196 = arith.constant 32 : index
          %parallel_loop3A_197 = tpu.vector_load %arg13[%parallel_loop3A_195, %parallel_loop3A_196] {strides = array<i32>} : memref<80x128xf32, #tpu.memory_space<vmem>>, vector<1x16xf32>,
          %parallel_loop3A_198 = vector.shape_cast %parallel_loop3A_197 : vector<1x16xf32> to vector<16xf32>
          %parallel_loop3A_199 = arith.index_cast %parallel_loop3A_160 : i32 to index
          %parallel_loop3A_200 = arith.constant 32 : index
          %parallel_loop3A_201 = tpu.vector_load %arg14[%parallel_loop3A_199, %parallel_loop3A_200] {strides = array<i32>} : memref<80x128xf32, #tpu.memory_space<vmem>>, vector<1x16xf32>,
          %parallel_loop3A_202 = vector.shape_cast %parallel_loop3A_201 : vector<1x16xf32> to vector<16xf32>
          %parallel_loop3A_203 = arith.addf %parallel_loop3A_198, %parallel_loop3A_202 : vector<16xf32>
          %parallel_loop3A_204 = arith.constant 0.000000e+00 : f32
          %parallel_loop3A_205 = vector.broadcast %parallel_loop3A_204 : f32 to vector<16xf32>
          %parallel_loop3A_206 = arith.maximumf %parallel_loop3A_203, %parallel_loop3A_205 : vector<16xf32>
          %parallel_loop3A_207 = arith.index_cast %parallel_loop3A_160 : i32 to index
          %parallel_loop3A_208 = arith.constant 32 : index
          %parallel_loop3A_209 = tpu.vector_load %arg13[%parallel_loop3A_207, %parallel_loop3A_208] {strides = array<i32>} : memref<80x128xf32, #tpu.memory_space<vmem>>, vector<1x16xf32>,
          %parallel_loop3A_210 = vector.shape_cast %parallel_loop3A_209 : vector<1x16xf32> to vector<16xf32>
          %parallel_loop3A_211 = vector.shape_cast %parallel_loop3A_206 : vector<16xf32> to vector<1x16xf32>
          tpu.vector_store %arg13[%parallel_loop3A_207, %parallel_loop3A_208], %parallel_loop3A_211 {strides = array<i32>} : memref<80x128xf32, #tpu.memory_space<vmem>>, vector<1x16xf32>,
          %parallel_loop3A_212 = arith.index_cast %parallel_loop3A_160 : i32 to index
          %parallel_loop3A_213 = arith.constant 48 : index
          %parallel_loop3A_214 = tpu.vector_load %arg13[%parallel_loop3A_212, %parallel_loop3A_213] {strides = array<i32>} : memref<80x128xf32, #tpu.memory_space<vmem>>, vector<1x16xf32>,
          %parallel_loop3A_215 = vector.shape_cast %parallel_loop3A_214 : vector<1x16xf32> to vector<16xf32>
          %parallel_loop3A_216 = arith.index_cast %parallel_loop3A_160 : i32 to index
          %parallel_loop3A_217 = arith.constant 48 : index
          %parallel_loop3A_218 = tpu.vector_load %arg14[%parallel_loop3A_216, %parallel_loop3A_217] {strides = array<i32>} : memref<80x128xf32, #tpu.memory_space<vmem>>, vector<1x16xf32>,
          %parallel_loop3A_219 = vector.shape_cast %parallel_loop3A_218 : vector<1x16xf32> to vector<16xf32>
          %parallel_loop3A_220 = arith.addf %parallel_loop3A_215, %parallel_loop3A_219 : vector<16xf32>
          %parallel_loop3A_221 = arith.constant 0.000000e+00 : f32
          %parallel_loop3A_222 = vector.broadcast %parallel_loop3A_221 : f32 to vector<16xf32>
          %parallel_loop3A_223 = arith.maximumf %parallel_loop3A_220, %parallel_loop3A_222 : vector<16xf32>
          %parallel_loop3A_224 = arith.index_cast %parallel_loop3A_160 : i32 to index
          %parallel_loop3A_225 = arith.constant 48 : index
          %parallel_loop3A_226 = tpu.vector_load %arg13[%parallel_loop3A_224, %parallel_loop3A_225] {strides = array<i32>} : memref<80x128xf32, #tpu.memory_space<vmem>>, vector<1x16xf32>,
          %parallel_loop3A_227 = vector.shape_cast %parallel_loop3A_226 : vector<1x16xf32> to vector<16xf32>
          %parallel_loop3A_228 = vector.shape_cast %parallel_loop3A_223 : vector<16xf32> to vector<1x16xf32>
          tpu.vector_store %arg13[%parallel_loop3A_224, %parallel_loop3A_225], %parallel_loop3A_228 {strides = array<i32>} : memref<80x128xf32, #tpu.memory_space<vmem>>, vector<1x16xf32>,
          %parallel_loop3A_229 = arith.index_cast %parallel_loop3A_160 : i32 to index
          %parallel_loop3A_230 = arith.constant 64 : index
          %parallel_loop3A_231 = tpu.vector_load %arg13[%parallel_loop3A_229, %parallel_loop3A_230] {strides = array<i32>} : memref<80x128xf32, #tpu.memory_space<vmem>>, vector<1x16xf32>,
          %parallel_loop3A_232 = vector.shape_cast %parallel_loop3A_231 : vector<1x16xf32> to vector<16xf32>
          %parallel_loop3A_233 = arith.index_cast %parallel_loop3A_160 : i32 to index
          %parallel_loop3A_234 = arith.constant 64 : index
          %parallel_loop3A_235 = tpu.vector_load %arg14[%parallel_loop3A_233, %parallel_loop3A_234] {strides = array<i32>} : memref<80x128xf32, #tpu.memory_space<vmem>>, vector<1x16xf32>,
          %parallel_loop3A_236 = vector.shape_cast %parallel_loop3A_235 : vector<1x16xf32> to vector<16xf32>
          %parallel_loop3A_237 = arith.addf %parallel_loop3A_232, %parallel_loop3A_236 : vector<16xf32>
          %parallel_loop3A_238 = arith.constant 0.000000e+00 : f32
          %parallel_loop3A_239 = vector.broadcast %parallel_loop3A_238 : f32 to vector<16xf32>
          %parallel_loop3A_240 = arith.maximumf %parallel_loop3A_237, %parallel_loop3A_239 : vector<16xf32>
          %parallel_loop3A_241 = arith.index_cast %parallel_loop3A_160 : i32 to index
          %parallel_loop3A_242 = arith.constant 64 : index
          %parallel_loop3A_243 = tpu.vector_load %arg13[%parallel_loop3A_241, %parallel_loop3A_242] {strides = array<i32>} : memref<80x128xf32, #tpu.memory_space<vmem>>, vector<1x16xf32>,
          %parallel_loop3A_244 = vector.shape_cast %parallel_loop3A_243 : vector<1x16xf32> to vector<16xf32>
          %parallel_loop3A_245 = vector.shape_cast %parallel_loop3A_240 : vector<16xf32> to vector<1x16xf32>
          tpu.vector_store %arg13[%parallel_loop3A_241, %parallel_loop3A_242], %parallel_loop3A_245 {strides = array<i32>} : memref<80x128xf32, #tpu.memory_space<vmem>>, vector<1x16xf32>,
          %parallel_loop3A_246 = arith.index_cast %parallel_loop3A_160 : i32 to index
          %parallel_loop3A_247 = arith.constant 80 : index
          %parallel_loop3A_248 = tpu.vector_load %arg13[%parallel_loop3A_246, %parallel_loop3A_247] {strides = array<i32>} : memref<80x128xf32, #tpu.memory_space<vmem>>, vector<1x16xf32>,
          %parallel_loop3A_249 = vector.shape_cast %parallel_loop3A_248 : vector<1x16xf32> to vector<16xf32>
          %parallel_loop3A_250 = arith.index_cast %parallel_loop3A_160 : i32 to index
          %parallel_loop3A_251 = arith.constant 80 : index
          %parallel_loop3A_252 = tpu.vector_load %arg14[%parallel_loop3A_250, %parallel_loop3A_251] {strides = array<i32>} : memref<80x128xf32, #tpu.memory_space<vmem>>, vector<1x16xf32>,
          %parallel_loop3A_253 = vector.shape_cast %parallel_loop3A_252 : vector<1x16xf32> to vector<16xf32>
          %parallel_loop3A_254 = arith.addf %parallel_loop3A_249, %parallel_loop3A_253 : vector<16xf32>
          %parallel_loop3A_255 = arith.constant 0.000000e+00 : f32
          %parallel_loop3A_256 = vector.broadcast %parallel_loop3A_255 : f32 to vector<16xf32>
          %parallel_loop3A_257 = arith.maximumf %parallel_loop3A_254, %parallel_loop3A_256 : vector<16xf32>
          %parallel_loop3A_258 = arith.index_cast %parallel_loop3A_160 : i32 to index
          %parallel_loop3A_259 = arith.constant 80 : index
          %parallel_loop3A_260 = tpu.vector_load %arg13[%parallel_loop3A_258, %parallel_loop3A_259] {strides = array<i32>} : memref<80x128xf32, #tpu.memory_space<vmem>>, vector<1x16xf32>,
          %parallel_loop3A_261 = vector.shape_cast %parallel_loop3A_260 : vector<1x16xf32> to vector<16xf32>
          %parallel_loop3A_262 = vector.shape_cast %parallel_loop3A_257 : vector<16xf32> to vector<1x16xf32>
          tpu.vector_store %arg13[%parallel_loop3A_258, %parallel_loop3A_259], %parallel_loop3A_262 {strides = array<i32>} : memref<80x128xf32, #tpu.memory_space<vmem>>, vector<1x16xf32>,
          %parallel_loop3A_263 = arith.index_cast %parallel_loop3A_160 : i32 to index
          %parallel_loop3A_264 = arith.constant 96 : index
          %parallel_loop3A_265 = tpu.vector_load %arg13[%parallel_loop3A_263, %parallel_loop3A_264] {strides = array<i32>} : memref<80x128xf32, #tpu.memory_space<vmem>>, vector<1x16xf32>,
          %parallel_loop3A_266 = vector.shape_cast %parallel_loop3A_265 : vector<1x16xf32> to vector<16xf32>
          %parallel_loop3A_267 = arith.index_cast %parallel_loop3A_160 : i32 to index
          %parallel_loop3A_268 = arith.constant 96 : index
          %parallel_loop3A_269 = tpu.vector_load %arg14[%parallel_loop3A_267, %parallel_loop3A_268] {strides = array<i32>} : memref<80x128xf32, #tpu.memory_space<vmem>>, vector<1x16xf32>,
          %parallel_loop3A_270 = vector.shape_cast %parallel_loop3A_269 : vector<1x16xf32> to vector<16xf32>
          %parallel_loop3A_271 = arith.addf %parallel_loop3A_266, %parallel_loop3A_270 : vector<16xf32>
          %parallel_loop3A_272 = arith.constant 0.000000e+00 : f32
          %parallel_loop3A_273 = vector.broadcast %parallel_loop3A_272 : f32 to vector<16xf32>
          %parallel_loop3A_274 = arith.maximumf %parallel_loop3A_271, %parallel_loop3A_273 : vector<16xf32>
          %parallel_loop3A_275 = arith.index_cast %parallel_loop3A_160 : i32 to index
          %parallel_loop3A_276 = arith.constant 96 : index
          %parallel_loop3A_277 = tpu.vector_load %arg13[%parallel_loop3A_275, %parallel_loop3A_276] {strides = array<i32>} : memref<80x128xf32, #tpu.memory_space<vmem>>, vector<1x16xf32>,
          %parallel_loop3A_278 = vector.shape_cast %parallel_loop3A_277 : vector<1x16xf32> to vector<16xf32>
          %parallel_loop3A_279 = vector.shape_cast %parallel_loop3A_274 : vector<16xf32> to vector<1x16xf32>
          tpu.vector_store %arg13[%parallel_loop3A_275, %parallel_loop3A_276], %parallel_loop3A_279 {strides = array<i32>} : memref<80x128xf32, #tpu.memory_space<vmem>>, vector<1x16xf32>,
          %parallel_loop3A_280 = arith.index_cast %parallel_loop3A_160 : i32 to index
          %parallel_loop3A_281 = arith.constant 112 : index
          %parallel_loop3A_282 = tpu.vector_load %arg13[%parallel_loop3A_280, %parallel_loop3A_281] {strides = array<i32>} : memref<80x128xf32, #tpu.memory_space<vmem>>, vector<1x16xf32>,
          %parallel_loop3A_283 = vector.shape_cast %parallel_loop3A_282 : vector<1x16xf32> to vector<16xf32>
          %parallel_loop3A_284 = arith.index_cast %parallel_loop3A_160 : i32 to index
          %parallel_loop3A_285 = arith.constant 112 : index
          %parallel_loop3A_286 = tpu.vector_load %arg14[%parallel_loop3A_284, %parallel_loop3A_285] {strides = array<i32>} : memref<80x128xf32, #tpu.memory_space<vmem>>, vector<1x16xf32>,
          %parallel_loop3A_287 = vector.shape_cast %parallel_loop3A_286 : vector<1x16xf32> to vector<16xf32>
          %parallel_loop3A_288 = arith.addf %parallel_loop3A_283, %parallel_loop3A_287 : vector<16xf32>
          %parallel_loop3A_289 = arith.constant 0.000000e+00 : f32
          %parallel_loop3A_290 = vector.broadcast %parallel_loop3A_289 : f32 to vector<16xf32>
          %parallel_loop3A_291 = arith.maximumf %parallel_loop3A_288, %parallel_loop3A_290 : vector<16xf32>
          %parallel_loop3A_292 = arith.index_cast %parallel_loop3A_160 : i32 to index
          %parallel_loop3A_293 = arith.constant 112 : index
          %parallel_loop3A_294 = tpu.vector_load %arg13[%parallel_loop3A_292, %parallel_loop3A_293] {strides = array<i32>} : memref<80x128xf32, #tpu.memory_space<vmem>>, vector<1x16xf32>,
          %parallel_loop3A_295 = vector.shape_cast %parallel_loop3A_294 : vector<1x16xf32> to vector<16xf32>
          %parallel_loop3A_296 = vector.shape_cast %parallel_loop3A_291 : vector<16xf32> to vector<1x16xf32>
          tpu.vector_store %arg13[%parallel_loop3A_292, %parallel_loop3A_293], %parallel_loop3A_296 {strides = array<i32>} : memref<80x128xf32, #tpu.memory_space<vmem>>, vector<1x16xf32>,
        } {sc.loop_unroll_factor = 4 : i64, sc.parallel_access}
        %mul3A_112 = arith.constant 80 : i32
        %mul3A_113 = arith.muli %scan3A_59, %mul3A_112 : i32
        %add3A_114 = arith.addi %mul3A_2, %mul3A_113 : i32
        %dma_wait3A_115 = tpu.memref_slice %arg3[%add3A_114] : memref<320000xi32, #tpu.memory_space<hbm>> -> memref<80xi32, #tpu.memory_space<hbm>>
        %dma_wait3A_116 = tpu.memref_slice %arg3[%add3A_114] : memref<320000xi32, #tpu.memory_space<hbm>> -> memref<80xi32, #tpu.memory_space<hbm>>
        tpu.wait_dma2 semaphore(%arg19 : memref<!tpu.dma_semaphore, #tpu.memory_space<semaphore_mem>>) src(%dma_wait3A_116 : memref<80xi32, #tpu.memory_space<hbm>>) dst(%arg8 : memref<80xi32, #tpu.memory_space<vmem>>)
        %get3A = arith.constant 0 : index
        %get3A_117 = tpu.vector_load %arg8[%get3A] {strides = array<i32>} : memref<80xi32, #tpu.memory_space<vmem>>, vector<16xi32>,
        %get3A_118 = vector.shape_cast %get3A_117 : vector<16xi32> to vector<16xi32>
        %swap3A = arith.constant 0 : index
        %swap3A_119 = tpu.vector_load %arg9[%swap3A] {strides = array<i32>} : memref<80xi32, #tpu.memory_space<vmem>>, vector<16xi32>,
        %swap3A_120 = vector.shape_cast %swap3A_119 : vector<16xi32> to vector<16xi32>
        %swap3A_121 = vector.shape_cast %get3A_118 : vector<16xi32> to vector<16xi32>
        tpu.vector_store %arg9[%swap3A], %swap3A_121 {strides = array<i32>} : memref<80xi32, #tpu.memory_space<vmem>>, vector<16xi32>,
        %get3A_122 = arith.constant 16 : index
        %get3A_123 = tpu.vector_load %arg8[%get3A_122] {strides = array<i32>} : memref<80xi32, #tpu.memory_space<vmem>>, vector<16xi32>,
        %get3A_124 = vector.shape_cast %get3A_123 : vector<16xi32> to vector<16xi32>
        %swap3A_125 = arith.constant 16 : index
        %swap3A_126 = tpu.vector_load %arg9[%swap3A_125] {strides = array<i32>} : memref<80xi32, #tpu.memory_space<vmem>>, vector<16xi32>,
        %swap3A_127 = vector.shape_cast %swap3A_126 : vector<16xi32> to vector<16xi32>
        %swap3A_128 = vector.shape_cast %get3A_124 : vector<16xi32> to vector<16xi32>
        tpu.vector_store %arg9[%swap3A_125], %swap3A_128 {strides = array<i32>} : memref<80xi32, #tpu.memory_space<vmem>>, vector<16xi32>,
        %get3A_129 = arith.constant 32 : index
        %get3A_130 = tpu.vector_load %arg8[%get3A_129] {strides = array<i32>} : memref<80xi32, #tpu.memory_space<vmem>>, vector<16xi32>,
        %get3A_131 = vector.shape_cast %get3A_130 : vector<16xi32> to vector<16xi32>
        %swap3A_132 = arith.constant 32 : index
        %swap3A_133 = tpu.vector_load %arg9[%swap3A_132] {strides = array<i32>} : memref<80xi32, #tpu.memory_space<vmem>>, vector<16xi32>,
        %swap3A_134 = vector.shape_cast %swap3A_133 : vector<16xi32> to vector<16xi32>
        %swap3A_135 = vector.shape_cast %get3A_131 : vector<16xi32> to vector<16xi32>
        tpu.vector_store %arg9[%swap3A_132], %swap3A_135 {strides = array<i32>} : memref<80xi32, #tpu.memory_space<vmem>>, vector<16xi32>,
        %get3A_136 = arith.constant 48 : index
        %get3A_137 = tpu.vector_load %arg8[%get3A_136] {strides = array<i32>} : memref<80xi32, #tpu.memory_space<vmem>>, vector<16xi32>,
        %get3A_138 = vector.shape_cast %get3A_137 : vector<16xi32> to vector<16xi32>
        %swap3A_139 = arith.constant 48 : index
        %swap3A_140 = tpu.vector_load %arg9[%swap3A_139] {strides = array<i32>} : memref<80xi32, #tpu.memory_space<vmem>>, vector<16xi32>,
        %swap3A_141 = vector.shape_cast %swap3A_140 : vector<16xi32> to vector<16xi32>
        %swap3A_142 = vector.shape_cast %get3A_138 : vector<16xi32> to vector<16xi32>
        tpu.vector_store %arg9[%swap3A_139], %swap3A_142 {strides = array<i32>} : memref<80xi32, #tpu.memory_space<vmem>>, vector<16xi32>,
        %get3A_143 = arith.constant 64 : index
        %get3A_144 = tpu.vector_load %arg8[%get3A_143] {strides = array<i32>} : memref<80xi32, #tpu.memory_space<vmem>>, vector<16xi32>,
        %get3A_145 = vector.shape_cast %get3A_144 : vector<16xi32> to vector<16xi32>
        %swap3A_146 = arith.constant 64 : index
        %swap3A_147 = tpu.vector_load %arg9[%swap3A_146] {strides = array<i32>} : memref<80xi32, #tpu.memory_space<vmem>>, vector<16xi32>,
        %swap3A_148 = vector.shape_cast %swap3A_147 : vector<16xi32> to vector<16xi32>
        %swap3A_149 = vector.shape_cast %get3A_145 : vector<16xi32> to vector<16xi32>
        tpu.vector_store %arg9[%swap3A_146], %swap3A_149 {strides = array<i32>} : memref<80xi32, #tpu.memory_space<vmem>>, vector<16xi32>,
        %dma_start3A_150 = arith.constant 0 : i32
        %dma_start3A_151 = arith.constant 0 : i32
        %dma_start3A_152 = tpu.memref_slice %arg17[%dma_start3A_150, %dma_start3A_151] : memref<10000x128xf32, #tpu.memory_space<vmem_shared>> -> memref<10000x128xf32, #tpu.memory_space<vmem_shared>>
        tpu.enqueue_indirect_dma source(%arg13 : memref<80x128xf32, #tpu.memory_space<vmem>>) target(%dma_start3A_152 : memref<10000x128xf32, #tpu.memory_space<vmem_shared>>) offsets(%arg9 : memref<80xi32, #tpu.memory_space<vmem>>) semaphore(%arg22 : memref<!tpu.dma_semaphore, #tpu.memory_space<semaphore_mem>>) {add = true}
        %add3A_153 = arith.constant 2 : i32
        %add3A_154 = arith.addi %scan3A_59, %add3A_153 : i32
        %lt3A_155 = arith.constant 125 : i32
        %lt3A_156 = arith.cmpi slt, %add3A_154, %lt3A_155 : i32
        %convert_element_type3A_157 = arith.extui %lt3A_156 : i1 to i32
        %cond3A_158 = arith.constant 0 : i32
        %cond3A_159 = arith.cmpi ne, %convert_element_type3A_157, %cond3A_158 : i32
        scf.if %cond3A_159 {
          %add3A_160 = arith.constant 2 : i32
          %add3A_161 = arith.addi %scan3A_59, %add3A_160 : i32
          %mul3A_162 = arith.constant 80 : i32
          %mul3A_163 = arith.muli %add3A_161, %mul3A_162 : i32
          %add3A_164 = arith.addi %mul3A_2, %mul3A_163 : i32
          %dma_start3A_165 = tpu.memref_slice %arg2[%add3A_164] : memref<320000xi32, #tpu.memory_space<hbm>> -> memref<80xi32, #tpu.memory_space<hbm>>
          %dma_start3A_166 = tpu.memref_slice %arg2[%add3A_164] : memref<320000xi32, #tpu.memory_space<hbm>> -> memref<80xi32, #tpu.memory_space<hbm>>
          tpu.enqueue_dma source(%dma_start3A_166 : memref<80xi32, #tpu.memory_space<hbm>>) target(%arg7 : memref<80xi32, #tpu.memory_space<vmem>>) target_semaphore(%arg18 : memref<!tpu.dma_semaphore, #tpu.memory_space<semaphore_mem>>)
          %dma_start3A_167 = tpu.memref_slice %arg3[%add3A_164] : memref<320000xi32, #tpu.memory_space<hbm>> -> memref<80xi32, #tpu.memory_space<hbm>>
          %dma_start3A_168 = tpu.memref_slice %arg3[%add3A_164] : memref<320000xi32, #tpu.memory_space<hbm>> -> memref<80xi32, #tpu.memory_space<hbm>>
          tpu.enqueue_dma source(%dma_start3A_168 : memref<80xi32, #tpu.memory_space<hbm>>) target(%arg8 : memref<80xi32, #tpu.memory_space<vmem>>) target_semaphore(%arg19 : memref<!tpu.dma_semaphore, #tpu.memory_space<semaphore_mem>>)
          %dma_start3A_169 = arith.constant 0 : i32
          %dma_start3A_170 = tpu.memref_slice %arg5[%add3A_164, %dma_start3A_169] : memref<320000x128xf32, #tpu.memory_space<hbm>> -> memref<80x128xf32, #tpu.memory_space<hbm>>
          %dma_start3A_171 = arith.constant 0 : i32
          %dma_start3A_172 = tpu.memref_slice %arg5[%add3A_164, %dma_start3A_171] : memref<320000x128xf32, #tpu.memory_space<hbm>> -> memref<80x128xf32, #tpu.memory_space<hbm>>
          tpu.enqueue_dma source(%dma_start3A_172 : memref<80x128xf32, #tpu.memory_space<hbm>>) target(%arg14 : memref<80x128xf32, #tpu.memory_space<vmem>>) target_semaphore(%arg21 : memref<!tpu.dma_semaphore, #tpu.memory_space<semaphore_mem>>)
        } else {
        }
      } else {
      }
      %jit3A_72 = arith.constant 2 : i32
      %eq3A_73 = arith.constant 0 : i32
      %eq3A_74 = arith.cmpi eq, %jit3A_72, %eq3A_73 : i32
      %jit3A_75 = arith.constant 1 : i32
      %select_n3A_76 = arith.select %eq3A_74, %jit3A_75, %jit3A_72 : i32
      %rem3A_77 = arith.remsi %scan3A_59, %select_n3A_76 : i32
      %ne3A_78 = arith.constant 0 : i32
      %ne3A_79 = arith.cmpi ne, %rem3A_77, %ne3A_78 : i32
      %lt3A_80 = arith.constant 0 : i32
      %lt3A_81 = arith.cmpi slt, %rem3A_77, %lt3A_80 : i32
      %lt3A_82 = arith.constant 0 : i32
      %lt3A_83 = arith.cmpi slt, %select_n3A_76, %lt3A_82 : i32
      %ne3A_84 = arith.xori %lt3A_81, %lt3A_83 : i1
      %and3A_85 = arith.andi %ne3A_84, %ne3A_79 : i1
      %add3A_86 = arith.addi %rem3A_77, %select_n3A_76 : i32
      %select_n3A_87 = arith.select %and3A_85, %add3A_86, %rem3A_77 : i32
      %eq3A_88 = arith.constant 1 : i32
      %eq3A_89 = arith.cmpi eq, %select_n3A_87, %eq3A_88 : i32
      %convert_element_type3A_90 = arith.extui %eq3A_89 : i1 to i32
      %cond3A_91 = arith.constant 0 : i32
      %cond3A_92 = arith.cmpi ne, %convert_element_type3A_90, %cond3A_91 : i32
      scf.if %cond3A_92 {
        %mul3A_93 = arith.constant 80 : i32
        %mul3A_94 = arith.muli %scan3A_59, %mul3A_93 : i32
        %add3A_95 = arith.addi %mul3A_2, %mul3A_94 : i32
        %dma_wait3A_96 = arith.constant 0 : i32
        %dma_wait3A_97 = arith.constant 0 : i32
        %dma_wait3A_98 = tpu.memref_slice %arg4[%dma_wait3A_96, %dma_wait3A_97] : memref<10000x128xf32, #tpu.memory_space<hbm>> -> memref<10000x128xf32, #tpu.memory_space<hbm>>
        tpu.wait_indirect_dma semaphore(%arg25 : memref<!tpu.dma_semaphore, #tpu.memory_space<semaphore_mem>>) src(%dma_wait3A_98 : memref<10000x128xf32, #tpu.memory_space<hbm>>) dst(%arg15 : memref<80x128xf32, #tpu.memory_space<vmem>>)
        %add3A_99 = arith.constant 1 : i32
        %add3A_100 = arith.addi %scan3A_59, %add3A_99 : i32
        %lt3A_101 = arith.constant 125 : i32
        %lt3A_102 = arith.cmpi slt, %add3A_100, %lt3A_101 : i32
        %convert_element_type3A_103 = arith.extui %lt3A_102 : i1 to i32
        %cond3A_104 = arith.constant 0 : i32
        %cond3A_105 = arith.cmpi ne, %convert_element_type3A_103, %cond3A_104 : i32
        scf.if %cond3A_105 {
          %ge3A = arith.constant 1 : i32
          %ge3A_160 = arith.cmpi sge, %scan3A_59, %ge3A : i32
          %convert_element_type3A_161 = arith.extui %ge3A_160 : i1 to i32
          %cond3A_162 = arith.constant 0 : i32
          %cond3A_163 = arith.cmpi ne, %convert_element_type3A_161, %cond3A_162 : i32
          scf.if %cond3A_163 {
            %dma_wait3A_174 = arith.constant 0 : i32
            %dma_wait3A_175 = arith.constant 0 : i32
            %dma_wait3A_176 = tpu.memref_slice %arg17[%dma_wait3A_174, %dma_wait3A_175] : memref<10000x128xf32, #tpu.memory_space<vmem_shared>> -> memref<10000x128xf32, #tpu.memory_space<vmem_shared>>
            tpu.wait_indirect_dma semaphore(%arg22 : memref<!tpu.dma_semaphore, #tpu.memory_space<semaphore_mem>>) src(%arg13 : memref<80x128xf32, #tpu.memory_space<vmem>>) dst(%dma_wait3A_176 : memref<10000x128xf32, #tpu.memory_space<vmem_shared>>)
          } else {
          }
          %add3A_164 = arith.constant 1 : i32
          %add3A_165 = arith.addi %scan3A_59, %add3A_164 : i32
          %mul3A_166 = arith.constant 80 : i32
          %mul3A_167 = arith.muli %add3A_165, %mul3A_166 : i32
          %add3A_168 = arith.addi %mul3A_2, %mul3A_167 : i32
          %dma_wait3A_169 = tpu.memref_slice %arg2[%add3A_168] : memref<320000xi32, #tpu.memory_space<hbm>> -> memref<80xi32, #tpu.memory_space<hbm>>
          %dma_wait3A_170 = tpu.memref_slice %arg2[%add3A_168] : memref<320000xi32, #tpu.memory_space<hbm>> -> memref<80xi32, #tpu.memory_space<hbm>>
          tpu.wait_dma2 semaphore(%arg18 : memref<!tpu.dma_semaphore, #tpu.memory_space<semaphore_mem>>) src(%dma_wait3A_170 : memref<80xi32, #tpu.memory_space<hbm>>) dst(%arg7 : memref<80xi32, #tpu.memory_space<vmem>>)
          %dma_start3A_171 = arith.constant 0 : i32
          %dma_start3A_172 = arith.constant 0 : i32
          %dma_start3A_173 = tpu.memref_slice %arg4[%dma_start3A_171, %dma_start3A_172] : memref<10000x128xf32, #tpu.memory_space<hbm>> -> memref<10000x128xf32, #tpu.memory_space<hbm>>
          tpu.enqueue_indirect_dma source(%dma_start3A_173 : memref<10000x128xf32, #tpu.memory_space<hbm>>) target(%arg13 : memref<80x128xf32, #tpu.memory_space<vmem>>) offsets(%arg7 : memref<80xi32, #tpu.memory_space<vmem>>) semaphore(%arg20 : memref<!tpu.dma_semaphore, #tpu.memory_space<semaphore_mem>>)
        } else {
        }
        %dma_wait3A_106 = arith.constant 0 : i32
        %dma_wait3A_107 = tpu.memref_slice %arg5[%add3A_95, %dma_wait3A_106] : memref<320000x128xf32, #tpu.memory_space<hbm>> -> memref<80x128xf32, #tpu.memory_space<hbm>>
        %dma_wait3A_108 = arith.constant 0 : i32
        %dma_wait3A_109 = tpu.memref_slice %arg5[%add3A_95, %dma_wait3A_108] : memref<320000x128xf32, #tpu.memory_space<hbm>> -> memref<80x128xf32, #tpu.memory_space<hbm>>
        tpu.wait_dma2 semaphore(%arg26 : memref<!tpu.dma_semaphore, #tpu.memory_space<semaphore_mem>>) src(%dma_wait3A_109 : memref<80x128xf32, #tpu.memory_space<hbm>>) dst(%arg16 : memref<80x128xf32, #tpu.memory_space<vmem>>)
        %parallel_loop3A = arith.constant 0 : i32
        %parallel_loop3A_110 = arith.constant 80 : i32
        %parallel_loop3A_111 = arith.constant 1 : i32
        scf.for %parallel_loop3A_160 = %parallel_loop3A to %parallel_loop3A_110 step %parallel_loop3A_111  : i32 {
          %parallel_loop3A_161 = arith.index_cast %parallel_loop3A_160 : i32 to index
          %parallel_loop3A_162 = arith.constant 0 : index
          %parallel_loop3A_163 = tpu.vector_load %arg15[%parallel_loop3A_161, %parallel_loop3A_162] {strides = array<i32>} : memref<80x128xf32, #tpu.memory_space<vmem>>, vector<1x16xf32>,
          %parallel_loop3A_164 = vector.shape_cast %parallel_loop3A_163 : vector<1x16xf32> to vector<16xf32>
          %parallel_loop3A_165 = arith.index_cast %parallel_loop3A_160 : i32 to index
          %parallel_loop3A_166 = arith.constant 0 : index
          %parallel_loop3A_167 = tpu.vector_load %arg16[%parallel_loop3A_165, %parallel_loop3A_166] {strides = array<i32>} : memref<80x128xf32, #tpu.memory_space<vmem>>, vector<1x16xf32>,
          %parallel_loop3A_168 = vector.shape_cast %parallel_loop3A_167 : vector<1x16xf32> to vector<16xf32>
          %parallel_loop3A_169 = arith.addf %parallel_loop3A_164, %parallel_loop3A_168 : vector<16xf32>
          %parallel_loop3A_170 = arith.constant 0.000000e+00 : f32
          %parallel_loop3A_171 = vector.broadcast %parallel_loop3A_170 : f32 to vector<16xf32>
          %parallel_loop3A_172 = arith.maximumf %parallel_loop3A_169, %parallel_loop3A_171 : vector<16xf32>
          %parallel_loop3A_173 = arith.index_cast %parallel_loop3A_160 : i32 to index
          %parallel_loop3A_174 = arith.constant 0 : index
          %parallel_loop3A_175 = tpu.vector_load %arg15[%parallel_loop3A_173, %parallel_loop3A_174] {strides = array<i32>} : memref<80x128xf32, #tpu.memory_space<vmem>>, vector<1x16xf32>,
          %parallel_loop3A_176 = vector.shape_cast %parallel_loop3A_175 : vector<1x16xf32> to vector<16xf32>
          %parallel_loop3A_177 = vector.shape_cast %parallel_loop3A_172 : vector<16xf32> to vector<1x16xf32>
          tpu.vector_store %arg15[%parallel_loop3A_173, %parallel_loop3A_174], %parallel_loop3A_177 {strides = array<i32>} : memref<80x128xf32, #tpu.memory_space<vmem>>, vector<1x16xf32>,
          %parallel_loop3A_178 = arith.index_cast %parallel_loop3A_160 : i32 to index
          %parallel_loop3A_179 = arith.constant 16 : index
          %parallel_loop3A_180 = tpu.vector_load %arg15[%parallel_loop3A_178, %parallel_loop3A_179] {strides = array<i32>} : memref<80x128xf32, #tpu.memory_space<vmem>>, vector<1x16xf32>,
          %parallel_loop3A_181 = vector.shape_cast %parallel_loop3A_180 : vector<1x16xf32> to vector<16xf32>
          %parallel_loop3A_182 = arith.index_cast %parallel_loop3A_160 : i32 to index
          %parallel_loop3A_183 = arith.constant 16 : index
          %parallel_loop3A_184 = tpu.vector_load %arg16[%parallel_loop3A_182, %parallel_loop3A_183] {strides = array<i32>} : memref<80x128xf32, #tpu.memory_space<vmem>>, vector<1x16xf32>,
          %parallel_loop3A_185 = vector.shape_cast %parallel_loop3A_184 : vector<1x16xf32> to vector<16xf32>
          %parallel_loop3A_186 = arith.addf %parallel_loop3A_181, %parallel_loop3A_185 : vector<16xf32>
          %parallel_loop3A_187 = arith.constant 0.000000e+00 : f32
          %parallel_loop3A_188 = vector.broadcast %parallel_loop3A_187 : f32 to vector<16xf32>
          %parallel_loop3A_189 = arith.maximumf %parallel_loop3A_186, %parallel_loop3A_188 : vector<16xf32>
          %parallel_loop3A_190 = arith.index_cast %parallel_loop3A_160 : i32 to index
          %parallel_loop3A_191 = arith.constant 16 : index
          %parallel_loop3A_192 = tpu.vector_load %arg15[%parallel_loop3A_190, %parallel_loop3A_191] {strides = array<i32>} : memref<80x128xf32, #tpu.memory_space<vmem>>, vector<1x16xf32>,
          %parallel_loop3A_193 = vector.shape_cast %parallel_loop3A_192 : vector<1x16xf32> to vector<16xf32>
          %parallel_loop3A_194 = vector.shape_cast %parallel_loop3A_189 : vector<16xf32> to vector<1x16xf32>
          tpu.vector_store %arg15[%parallel_loop3A_190, %parallel_loop3A_191], %parallel_loop3A_194 {strides = array<i32>} : memref<80x128xf32, #tpu.memory_space<vmem>>, vector<1x16xf32>,
          %parallel_loop3A_195 = arith.index_cast %parallel_loop3A_160 : i32 to index
          %parallel_loop3A_196 = arith.constant 32 : index
          %parallel_loop3A_197 = tpu.vector_load %arg15[%parallel_loop3A_195, %parallel_loop3A_196] {strides = array<i32>} : memref<80x128xf32, #tpu.memory_space<vmem>>, vector<1x16xf32>,
          %parallel_loop3A_198 = vector.shape_cast %parallel_loop3A_197 : vector<1x16xf32> to vector<16xf32>
          %parallel_loop3A_199 = arith.index_cast %parallel_loop3A_160 : i32 to index
          %parallel_loop3A_200 = arith.constant 32 : index
          %parallel_loop3A_201 = tpu.vector_load %arg16[%parallel_loop3A_199, %parallel_loop3A_200] {strides = array<i32>} : memref<80x128xf32, #tpu.memory_space<vmem>>, vector<1x16xf32>,
          %parallel_loop3A_202 = vector.shape_cast %parallel_loop3A_201 : vector<1x16xf32> to vector<16xf32>
          %parallel_loop3A_203 = arith.addf %parallel_loop3A_198, %parallel_loop3A_202 : vector<16xf32>
          %parallel_loop3A_204 = arith.constant 0.000000e+00 : f32
          %parallel_loop3A_205 = vector.broadcast %parallel_loop3A_204 : f32 to vector<16xf32>
          %parallel_loop3A_206 = arith.maximumf %parallel_loop3A_203, %parallel_loop3A_205 : vector<16xf32>
          %parallel_loop3A_207 = arith.index_cast %parallel_loop3A_160 : i32 to index
          %parallel_loop3A_208 = arith.constant 32 : index
          %parallel_loop3A_209 = tpu.vector_load %arg15[%parallel_loop3A_207, %parallel_loop3A_208] {strides = array<i32>} : memref<80x128xf32, #tpu.memory_space<vmem>>, vector<1x16xf32>,
          %parallel_loop3A_210 = vector.shape_cast %parallel_loop3A_209 : vector<1x16xf32> to vector<16xf32>
          %parallel_loop3A_211 = vector.shape_cast %parallel_loop3A_206 : vector<16xf32> to vector<1x16xf32>
          tpu.vector_store %arg15[%parallel_loop3A_207, %parallel_loop3A_208], %parallel_loop3A_211 {strides = array<i32>} : memref<80x128xf32, #tpu.memory_space<vmem>>, vector<1x16xf32>,
          %parallel_loop3A_212 = arith.index_cast %parallel_loop3A_160 : i32 to index
          %parallel_loop3A_213 = arith.constant 48 : index
          %parallel_loop3A_214 = tpu.vector_load %arg15[%parallel_loop3A_212, %parallel_loop3A_213] {strides = array<i32>} : memref<80x128xf32, #tpu.memory_space<vmem>>, vector<1x16xf32>,
          %parallel_loop3A_215 = vector.shape_cast %parallel_loop3A_214 : vector<1x16xf32> to vector<16xf32>
          %parallel_loop3A_216 = arith.index_cast %parallel_loop3A_160 : i32 to index
          %parallel_loop3A_217 = arith.constant 48 : index
          %parallel_loop3A_218 = tpu.vector_load %arg16[%parallel_loop3A_216, %parallel_loop3A_217] {strides = array<i32>} : memref<80x128xf32, #tpu.memory_space<vmem>>, vector<1x16xf32>,
          %parallel_loop3A_219 = vector.shape_cast %parallel_loop3A_218 : vector<1x16xf32> to vector<16xf32>
          %parallel_loop3A_220 = arith.addf %parallel_loop3A_215, %parallel_loop3A_219 : vector<16xf32>
          %parallel_loop3A_221 = arith.constant 0.000000e+00 : f32
          %parallel_loop3A_222 = vector.broadcast %parallel_loop3A_221 : f32 to vector<16xf32>
          %parallel_loop3A_223 = arith.maximumf %parallel_loop3A_220, %parallel_loop3A_222 : vector<16xf32>
          %parallel_loop3A_224 = arith.index_cast %parallel_loop3A_160 : i32 to index
          %parallel_loop3A_225 = arith.constant 48 : index
          %parallel_loop3A_226 = tpu.vector_load %arg15[%parallel_loop3A_224, %parallel_loop3A_225] {strides = array<i32>} : memref<80x128xf32, #tpu.memory_space<vmem>>, vector<1x16xf32>,
          %parallel_loop3A_227 = vector.shape_cast %parallel_loop3A_226 : vector<1x16xf32> to vector<16xf32>
          %parallel_loop3A_228 = vector.shape_cast %parallel_loop3A_223 : vector<16xf32> to vector<1x16xf32>
          tpu.vector_store %arg15[%parallel_loop3A_224, %parallel_loop3A_225], %parallel_loop3A_228 {strides = array<i32>} : memref<80x128xf32, #tpu.memory_space<vmem>>, vector<1x16xf32>,
          %parallel_loop3A_229 = arith.index_cast %parallel_loop3A_160 : i32 to index
          %parallel_loop3A_230 = arith.constant 64 : index
          %parallel_loop3A_231 = tpu.vector_load %arg15[%parallel_loop3A_229, %parallel_loop3A_230] {strides = array<i32>} : memref<80x128xf32, #tpu.memory_space<vmem>>, vector<1x16xf32>,
          %parallel_loop3A_232 = vector.shape_cast %parallel_loop3A_231 : vector<1x16xf32> to vector<16xf32>
          %parallel_loop3A_233 = arith.index_cast %parallel_loop3A_160 : i32 to index
          %parallel_loop3A_234 = arith.constant 64 : index
          %parallel_loop3A_235 = tpu.vector_load %arg16[%parallel_loop3A_233, %parallel_loop3A_234] {strides = array<i32>} : memref<80x128xf32, #tpu.memory_space<vmem>>, vector<1x16xf32>,
          %parallel_loop3A_236 = vector.shape_cast %parallel_loop3A_235 : vector<1x16xf32> to vector<16xf32>
          %parallel_loop3A_237 = arith.addf %parallel_loop3A_232, %parallel_loop3A_236 : vector<16xf32>
          %parallel_loop3A_238 = arith.constant 0.000000e+00 : f32
          %parallel_loop3A_239 = vector.broadcast %parallel_loop3A_238 : f32 to vector<16xf32>
          %parallel_loop3A_240 = arith.maximumf %parallel_loop3A_237, %parallel_loop3A_239 : vector<16xf32>
          %parallel_loop3A_241 = arith.index_cast %parallel_loop3A_160 : i32 to index
          %parallel_loop3A_242 = arith.constant 64 : index
          %parallel_loop3A_243 = tpu.vector_load %arg15[%parallel_loop3A_241, %parallel_loop3A_242] {strides = array<i32>} : memref<80x128xf32, #tpu.memory_space<vmem>>, vector<1x16xf32>,
          %parallel_loop3A_244 = vector.shape_cast %parallel_loop3A_243 : vector<1x16xf32> to vector<16xf32>
          %parallel_loop3A_245 = vector.shape_cast %parallel_loop3A_240 : vector<16xf32> to vector<1x16xf32>
          tpu.vector_store %arg15[%parallel_loop3A_241, %parallel_loop3A_242], %parallel_loop3A_245 {strides = array<i32>} : memref<80x128xf32, #tpu.memory_space<vmem>>, vector<1x16xf32>,
          %parallel_loop3A_246 = arith.index_cast %parallel_loop3A_160 : i32 to index
          %parallel_loop3A_247 = arith.constant 80 : index
          %parallel_loop3A_248 = tpu.vector_load %arg15[%parallel_loop3A_246, %parallel_loop3A_247] {strides = array<i32>} : memref<80x128xf32, #tpu.memory_space<vmem>>, vector<1x16xf32>,
          %parallel_loop3A_249 = vector.shape_cast %parallel_loop3A_248 : vector<1x16xf32> to vector<16xf32>
          %parallel_loop3A_250 = arith.index_cast %parallel_loop3A_160 : i32 to index
          %parallel_loop3A_251 = arith.constant 80 : index
          %parallel_loop3A_252 = tpu.vector_load %arg16[%parallel_loop3A_250, %parallel_loop3A_251] {strides = array<i32>} : memref<80x128xf32, #tpu.memory_space<vmem>>, vector<1x16xf32>,
          %parallel_loop3A_253 = vector.shape_cast %parallel_loop3A_252 : vector<1x16xf32> to vector<16xf32>
          %parallel_loop3A_254 = arith.addf %parallel_loop3A_249, %parallel_loop3A_253 : vector<16xf32>
          %parallel_loop3A_255 = arith.constant 0.000000e+00 : f32
          %parallel_loop3A_256 = vector.broadcast %parallel_loop3A_255 : f32 to vector<16xf32>
          %parallel_loop3A_257 = arith.maximumf %parallel_loop3A_254, %parallel_loop3A_256 : vector<16xf32>
          %parallel_loop3A_258 = arith.index_cast %parallel_loop3A_160 : i32 to index
          %parallel_loop3A_259 = arith.constant 80 : index
          %parallel_loop3A_260 = tpu.vector_load %arg15[%parallel_loop3A_258, %parallel_loop3A_259] {strides = array<i32>} : memref<80x128xf32, #tpu.memory_space<vmem>>, vector<1x16xf32>,
          %parallel_loop3A_261 = vector.shape_cast %parallel_loop3A_260 : vector<1x16xf32> to vector<16xf32>
          %parallel_loop3A_262 = vector.shape_cast %parallel_loop3A_257 : vector<16xf32> to vector<1x16xf32>
          tpu.vector_store %arg15[%parallel_loop3A_258, %parallel_loop3A_259], %parallel_loop3A_262 {strides = array<i32>} : memref<80x128xf32, #tpu.memory_space<vmem>>, vector<1x16xf32>,
          %parallel_loop3A_263 = arith.index_cast %parallel_loop3A_160 : i32 to index
          %parallel_loop3A_264 = arith.constant 96 : index
          %parallel_loop3A_265 = tpu.vector_load %arg15[%parallel_loop3A_263, %parallel_loop3A_264] {strides = array<i32>} : memref<80x128xf32, #tpu.memory_space<vmem>>, vector<1x16xf32>,
          %parallel_loop3A_266 = vector.shape_cast %parallel_loop3A_265 : vector<1x16xf32> to vector<16xf32>
          %parallel_loop3A_267 = arith.index_cast %parallel_loop3A_160 : i32 to index
          %parallel_loop3A_268 = arith.constant 96 : index
          %parallel_loop3A_269 = tpu.vector_load %arg16[%parallel_loop3A_267, %parallel_loop3A_268] {strides = array<i32>} : memref<80x128xf32, #tpu.memory_space<vmem>>, vector<1x16xf32>,
          %parallel_loop3A_270 = vector.shape_cast %parallel_loop3A_269 : vector<1x16xf32> to vector<16xf32>
          %parallel_loop3A_271 = arith.addf %parallel_loop3A_266, %parallel_loop3A_270 : vector<16xf32>
          %parallel_loop3A_272 = arith.constant 0.000000e+00 : f32
          %parallel_loop3A_273 = vector.broadcast %parallel_loop3A_272 : f32 to vector<16xf32>
          %parallel_loop3A_274 = arith.maximumf %parallel_loop3A_271, %parallel_loop3A_273 : vector<16xf32>
          %parallel_loop3A_275 = arith.index_cast %parallel_loop3A_160 : i32 to index
          %parallel_loop3A_276 = arith.constant 96 : index
          %parallel_loop3A_277 = tpu.vector_load %arg15[%parallel_loop3A_275, %parallel_loop3A_276] {strides = array<i32>} : memref<80x128xf32, #tpu.memory_space<vmem>>, vector<1x16xf32>,
          %parallel_loop3A_278 = vector.shape_cast %parallel_loop3A_277 : vector<1x16xf32> to vector<16xf32>
          %parallel_loop3A_279 = vector.shape_cast %parallel_loop3A_274 : vector<16xf32> to vector<1x16xf32>
          tpu.vector_store %arg15[%parallel_loop3A_275, %parallel_loop3A_276], %parallel_loop3A_279 {strides = array<i32>} : memref<80x128xf32, #tpu.memory_space<vmem>>, vector<1x16xf32>,
          %parallel_loop3A_280 = arith.index_cast %parallel_loop3A_160 : i32 to index
          %parallel_loop3A_281 = arith.constant 112 : index
          %parallel_loop3A_282 = tpu.vector_load %arg15[%parallel_loop3A_280, %parallel_loop3A_281] {strides = array<i32>} : memref<80x128xf32, #tpu.memory_space<vmem>>, vector<1x16xf32>,
          %parallel_loop3A_283 = vector.shape_cast %parallel_loop3A_282 : vector<1x16xf32> to vector<16xf32>
          %parallel_loop3A_284 = arith.index_cast %parallel_loop3A_160 : i32 to index
          %parallel_loop3A_285 = arith.constant 112 : index
          %parallel_loop3A_286 = tpu.vector_load %arg16[%parallel_loop3A_284, %parallel_loop3A_285] {strides = array<i32>} : memref<80x128xf32, #tpu.memory_space<vmem>>, vector<1x16xf32>,
          %parallel_loop3A_287 = vector.shape_cast %parallel_loop3A_286 : vector<1x16xf32> to vector<16xf32>
          %parallel_loop3A_288 = arith.addf %parallel_loop3A_283, %parallel_loop3A_287 : vector<16xf32>
          %parallel_loop3A_289 = arith.constant 0.000000e+00 : f32
          %parallel_loop3A_290 = vector.broadcast %parallel_loop3A_289 : f32 to vector<16xf32>
          %parallel_loop3A_291 = arith.maximumf %parallel_loop3A_288, %parallel_loop3A_290 : vector<16xf32>
          %parallel_loop3A_292 = arith.index_cast %parallel_loop3A_160 : i32 to index
          %parallel_loop3A_293 = arith.constant 112 : index
          %parallel_loop3A_294 = tpu.vector_load %arg15[%parallel_loop3A_292, %parallel_loop3A_293] {strides = array<i32>} : memref<80x128xf32, #tpu.memory_space<vmem>>, vector<1x16xf32>,
          %parallel_loop3A_295 = vector.shape_cast %parallel_loop3A_294 : vector<1x16xf32> to vector<16xf32>
          %parallel_loop3A_296 = vector.shape_cast %parallel_loop3A_291 : vector<16xf32> to vector<1x16xf32>
          tpu.vector_store %arg15[%parallel_loop3A_292, %parallel_loop3A_293], %parallel_loop3A_296 {strides = array<i32>} : memref<80x128xf32, #tpu.memory_space<vmem>>, vector<1x16xf32>,
        } {sc.loop_unroll_factor = 4 : i64, sc.parallel_access}
        %mul3A_112 = arith.constant 80 : i32
        %mul3A_113 = arith.muli %scan3A_59, %mul3A_112 : i32
        %add3A_114 = arith.addi %mul3A_2, %mul3A_113 : i32
        %dma_wait3A_115 = tpu.memref_slice %arg3[%add3A_114] : memref<320000xi32, #tpu.memory_space<hbm>> -> memref<80xi32, #tpu.memory_space<hbm>>
        %dma_wait3A_116 = tpu.memref_slice %arg3[%add3A_114] : memref<320000xi32, #tpu.memory_space<hbm>> -> memref<80xi32, #tpu.memory_space<hbm>>
        tpu.wait_dma2 semaphore(%arg24 : memref<!tpu.dma_semaphore, #tpu.memory_space<semaphore_mem>>) src(%dma_wait3A_116 : memref<80xi32, #tpu.memory_space<hbm>>) dst(%arg11 : memref<80xi32, #tpu.memory_space<vmem>>)
        %get3A = arith.constant 0 : index
        %get3A_117 = tpu.vector_load %arg11[%get3A] {strides = array<i32>} : memref<80xi32, #tpu.memory_space<vmem>>, vector<16xi32>,
        %get3A_118 = vector.shape_cast %get3A_117 : vector<16xi32> to vector<16xi32>
        %swap3A = arith.constant 0 : index
        %swap3A_119 = tpu.vector_load %arg12[%swap3A] {strides = array<i32>} : memref<80xi32, #tpu.memory_space<vmem>>, vector<16xi32>,
        %swap3A_120 = vector.shape_cast %swap3A_119 : vector<16xi32> to vector<16xi32>
        %swap3A_121 = vector.shape_cast %get3A_118 : vector<16xi32> to vector<16xi32>
        tpu.vector_store %arg12[%swap3A], %swap3A_121 {strides = array<i32>} : memref<80xi32, #tpu.memory_space<vmem>>, vector<16xi32>,
        %get3A_122 = arith.constant 16 : index
        %get3A_123 = tpu.vector_load %arg11[%get3A_122] {strides = array<i32>} : memref<80xi32, #tpu.memory_space<vmem>>, vector<16xi32>,
        %get3A_124 = vector.shape_cast %get3A_123 : vector<16xi32> to vector<16xi32>
        %swap3A_125 = arith.constant 16 : index
        %swap3A_126 = tpu.vector_load %arg12[%swap3A_125] {strides = array<i32>} : memref<80xi32, #tpu.memory_space<vmem>>, vector<16xi32>,
        %swap3A_127 = vector.shape_cast %swap3A_126 : vector<16xi32> to vector<16xi32>
        %swap3A_128 = vector.shape_cast %get3A_124 : vector<16xi32> to vector<16xi32>
        tpu.vector_store %arg12[%swap3A_125], %swap3A_128 {strides = array<i32>} : memref<80xi32, #tpu.memory_space<vmem>>, vector<16xi32>,
        %get3A_129 = arith.constant 32 : index
        %get3A_130 = tpu.vector_load %arg11[%get3A_129] {strides = array<i32>} : memref<80xi32, #tpu.memory_space<vmem>>, vector<16xi32>,
        %get3A_131 = vector.shape_cast %get3A_130 : vector<16xi32> to vector<16xi32>
        %swap3A_132 = arith.constant 32 : index
        %swap3A_133 = tpu.vector_load %arg12[%swap3A_132] {strides = array<i32>} : memref<80xi32, #tpu.memory_space<vmem>>, vector<16xi32>,
        %swap3A_134 = vector.shape_cast %swap3A_133 : vector<16xi32> to vector<16xi32>
        %swap3A_135 = vector.shape_cast %get3A_131 : vector<16xi32> to vector<16xi32>
        tpu.vector_store %arg12[%swap3A_132], %swap3A_135 {strides = array<i32>} : memref<80xi32, #tpu.memory_space<vmem>>, vector<16xi32>,
        %get3A_136 = arith.constant 48 : index
        %get3A_137 = tpu.vector_load %arg11[%get3A_136] {strides = array<i32>} : memref<80xi32, #tpu.memory_space<vmem>>, vector<16xi32>,
        %get3A_138 = vector.shape_cast %get3A_137 : vector<16xi32> to vector<16xi32>
        %swap3A_139 = arith.constant 48 : index
        %swap3A_140 = tpu.vector_load %arg12[%swap3A_139] {strides = array<i32>} : memref<80xi32, #tpu.memory_space<vmem>>, vector<16xi32>,
        %swap3A_141 = vector.shape_cast %swap3A_140 : vector<16xi32> to vector<16xi32>
        %swap3A_142 = vector.shape_cast %get3A_138 : vector<16xi32> to vector<16xi32>
        tpu.vector_store %arg12[%swap3A_139], %swap3A_142 {strides = array<i32>} : memref<80xi32, #tpu.memory_space<vmem>>, vector<16xi32>,
        %get3A_143 = arith.constant 64 : index
        %get3A_144 = tpu.vector_load %arg11[%get3A_143] {strides = array<i32>} : memref<80xi32, #tpu.memory_space<vmem>>, vector<16xi32>,
        %get3A_145 = vector.shape_cast %get3A_144 : vector<16xi32> to vector<16xi32>
        %swap3A_146 = arith.constant 64 : index
        %swap3A_147 = tpu.vector_load %arg12[%swap3A_146] {strides = array<i32>} : memref<80xi32, #tpu.memory_space<vmem>>, vector<16xi32>,
        %swap3A_148 = vector.shape_cast %swap3A_147 : vector<16xi32> to vector<16xi32>
        %swap3A_149 = vector.shape_cast %get3A_145 : vector<16xi32> to vector<16xi32>
        tpu.vector_store %arg12[%swap3A_146], %swap3A_149 {strides = array<i32>} : memref<80xi32, #tpu.memory_space<vmem>>, vector<16xi32>,
        %dma_start3A_150 = arith.constant 0 : i32
        %dma_start3A_151 = arith.constant 0 : i32
        %dma_start3A_152 = tpu.memref_slice %arg17[%dma_start3A_150, %dma_start3A_151] : memref<10000x128xf32, #tpu.memory_space<vmem_shared>> -> memref<10000x128xf32, #tpu.memory_space<vmem_shared>>
        tpu.enqueue_indirect_dma source(%arg15 : memref<80x128xf32, #tpu.memory_space<vmem>>) target(%dma_start3A_152 : memref<10000x128xf32, #tpu.memory_space<vmem_shared>>) offsets(%arg12 : memref<80xi32, #tpu.memory_space<vmem>>) semaphore(%arg27 : memref<!tpu.dma_semaphore, #tpu.memory_space<semaphore_mem>>) {add = true}
        %add3A_153 = arith.constant 2 : i32
        %add3A_154 = arith.addi %scan3A_59, %add3A_153 : i32
        %lt3A_155 = arith.constant 125 : i32
        %lt3A_156 = arith.cmpi slt, %add3A_154, %lt3A_155 : i32
        %convert_element_type3A_157 = arith.extui %lt3A_156 : i1 to i32
        %cond3A_158 = arith.constant 0 : i32
        %cond3A_159 = arith.cmpi ne, %convert_element_type3A_157, %cond3A_158 : i32
        scf.if %cond3A_159 {
          %add3A_160 = arith.constant 2 : i32
          %add3A_161 = arith.addi %scan3A_59, %add3A_160 : i32
          %mul3A_162 = arith.constant 80 : i32
          %mul3A_163 = arith.muli %add3A_161, %mul3A_162 : i32
          %add3A_164 = arith.addi %mul3A_2, %mul3A_163 : i32
          %dma_start3A_165 = tpu.memref_slice %arg2[%add3A_164] : memref<320000xi32, #tpu.memory_space<hbm>> -> memref<80xi32, #tpu.memory_space<hbm>>
          %dma_start3A_166 = tpu.memref_slice %arg2[%add3A_164] : memref<320000xi32, #tpu.memory_space<hbm>> -> memref<80xi32, #tpu.memory_space<hbm>>
          tpu.enqueue_dma source(%dma_start3A_166 : memref<80xi32, #tpu.memory_space<hbm>>) target(%arg10 : memref<80xi32, #tpu.memory_space<vmem>>) target_semaphore(%arg23 : memref<!tpu.dma_semaphore, #tpu.memory_space<semaphore_mem>>)
          %dma_start3A_167 = tpu.memref_slice %arg3[%add3A_164] : memref<320000xi32, #tpu.memory_space<hbm>> -> memref<80xi32, #tpu.memory_space<hbm>>
          %dma_start3A_168 = tpu.memref_slice %arg3[%add3A_164] : memref<320000xi32, #tpu.memory_space<hbm>> -> memref<80xi32, #tpu.memory_space<hbm>>
          tpu.enqueue_dma source(%dma_start3A_168 : memref<80xi32, #tpu.memory_space<hbm>>) target(%arg11 : memref<80xi32, #tpu.memory_space<vmem>>) target_semaphore(%arg24 : memref<!tpu.dma_semaphore, #tpu.memory_space<semaphore_mem>>)
          %dma_start3A_169 = arith.constant 0 : i32
          %dma_start3A_170 = tpu.memref_slice %arg5[%add3A_164, %dma_start3A_169] : memref<320000x128xf32, #tpu.memory_space<hbm>> -> memref<80x128xf32, #tpu.memory_space<hbm>>
          %dma_start3A_171 = arith.constant 0 : i32
          %dma_start3A_172 = tpu.memref_slice %arg5[%add3A_164, %dma_start3A_171] : memref<320000x128xf32, #tpu.memory_space<hbm>> -> memref<80x128xf32, #tpu.memory_space<hbm>>
          tpu.enqueue_dma source(%dma_start3A_172 : memref<80x128xf32, #tpu.memory_space<hbm>>) target(%arg16 : memref<80x128xf32, #tpu.memory_space<vmem>>) target_semaphore(%arg26 : memref<!tpu.dma_semaphore, #tpu.memory_space<semaphore_mem>>)
        } else {
        }
      } else {
      }
    }
    %scan3A_45 = arith.constant 125 : i32
    %dma_wait3A_46 = arith.constant 0 : i32
    %dma_wait3A_47 = arith.constant 0 : i32
    %dma_wait3A_48 = tpu.memref_slice %arg17[%dma_wait3A_46, %dma_wait3A_47] : memref<10000x128xf32, #tpu.memory_space<vmem_shared>> -> memref<10000x128xf32, #tpu.memory_space<vmem_shared>>
    tpu.wait_indirect_dma semaphore(%arg27 : memref<!tpu.dma_semaphore, #tpu.memory_space<semaphore_mem>>) src(%arg15 : memref<80x128xf32, #tpu.memory_space<vmem>>) dst(%dma_wait3A_48 : memref<10000x128xf32, #tpu.memory_space<vmem_shared>>)
    %dma_wait3A_49 = arith.constant 0 : i32
    %dma_wait3A_50 = arith.constant 0 : i32
    %dma_wait3A_51 = tpu.memref_slice %arg17[%dma_wait3A_49, %dma_wait3A_50] : memref<10000x128xf32, #tpu.memory_space<vmem_shared>> -> memref<10000x128xf32, #tpu.memory_space<vmem_shared>>
    tpu.wait_indirect_dma semaphore(%arg22 : memref<!tpu.dma_semaphore, #tpu.memory_space<semaphore_mem>>) src(%arg13 : memref<80x128xf32, #tpu.memory_space<vmem>>) dst(%dma_wait3A_51 : memref<10000x128xf32, #tpu.memory_space<vmem_shared>>)
    %barrier3A_52 = arith.constant 0 : index
    tpu.barrier barrier_id(%barrier3A_52)
    %scan3A_53 = arith.constant 0 : i32
    %scan3A_54 = arith.constant 0 : i32
    %scan3A_55 = arith.constant 8 : i32
    %scan3A_56 = arith.addi %scan3A_54, %scan3A_55 : i32
    %scan3A_57 = arith.constant 1 : i32
    scf.for %scan3A_59 = %scan3A_54 to %scan3A_56 step %scan3A_57  : i32 {
      %mul3A_60 = arith.constant 16 : i32
      %mul3A_61 = arith.muli %scan3A_59, %mul3A_60 : i32
      %add3A_62 = arith.addi %mul3A_61, %arg1 : i32
      %lt3A = arith.constant 125 : i32
      %lt3A_63 = arith.cmpi slt, %add3A_62, %lt3A : i32
      %convert_element_type3A = arith.extui %lt3A_63 : i1 to i32
      %cond3A = arith.constant 0 : i32
      %cond3A_64 = arith.cmpi ne, %convert_element_type3A, %cond3A : i32
      scf.if %cond3A_64 {
        %mul3A_65 = arith.constant 80 : i32
        %mul3A_66 = arith.muli %add3A_62, %mul3A_65 : i32
        %mul3A_67 = arith.constant 80 : i32
        %mul3A_68 = arith.muli %add3A_62, %mul3A_67 : i32
        "tpu.region"() ({
          %run_scoped3A = tpu.sem_alloc : memref<!tpu.dma_semaphore, #tpu.memory_space<semaphore_mem>>
          %dma_start3A_69 = arith.constant 0 : i32
          %dma_start3A_70 = tpu.memref_slice %arg6[%arg0, %mul3A_68, %dma_start3A_69] : memref<2x10000x128xf32, #tpu.memory_space<hbm>> -> memref<1x80x128xf32, #tpu.memory_space<hbm>>
          %dma_start3A_71 = tpu.memref_squeeze %dma_start3A_70 : memref<1x80x128xf32, #tpu.memory_space<hbm>> -> memref<80x128xf32, #tpu.memory_space<hbm>>
          %dma_start3A_72 = arith.constant 0 : i32
          %dma_start3A_73 = tpu.memref_slice %arg17[%mul3A_66, %dma_start3A_72] : memref<10000x128xf32, #tpu.memory_space<vmem_shared>> -> memref<80x128xf32, #tpu.memory_space<vmem_shared>>
          tpu.enqueue_dma source(%dma_start3A_73 : memref<80x128xf32, #tpu.memory_space<vmem_shared>>) target(%dma_start3A_71 : memref<80x128xf32, #tpu.memory_space<hbm>>) target_semaphore(%run_scoped3A : memref<!tpu.dma_semaphore, #tpu.memory_space<semaphore_mem>>)
          %dma_wait3A_74 = arith.constant 0 : i32
          %dma_wait3A_75 = tpu.memref_slice %arg6[%arg0, %mul3A_68, %dma_wait3A_74] : memref<2x10000x128xf32, #tpu.memory_space<hbm>> -> memref<1x80x128xf32, #tpu.memory_space<hbm>>
          %dma_wait3A_76 = tpu.memref_squeeze %dma_wait3A_75 : memref<1x80x128xf32, #tpu.memory_space<hbm>> -> memref<80x128xf32, #tpu.memory_space<hbm>>
          %dma_wait3A_77 = arith.constant 0 : i32
          %dma_wait3A_78 = tpu.memref_slice %arg17[%mul3A_66, %dma_wait3A_77] : memref<10000x128xf32, #tpu.memory_space<vmem_shared>> -> memref<80x128xf32, #tpu.memory_space<vmem_shared>>
          tpu.wait_dma2 semaphore(%run_scoped3A : memref<!tpu.dma_semaphore, #tpu.memory_space<semaphore_mem>>) src(%dma_wait3A_78 : memref<80x128xf32, #tpu.memory_space<vmem_shared>>) dst(%dma_wait3A_76 : memref<80x128xf32, #tpu.memory_space<hbm>>)
          tpu.yield
        }) : () -> ()
      } else {
      }
    }
    %scan3A_58 = arith.constant 8 : i32
    return
  }
}

module attributes {stable_mosaic.version = 14 : i64} {
  func.func @_tc_body(%arg0: memref<10000x128xf32, #tpu.memory_space<vmem>>, %arg1: memref<2x10000x128xf32, #tpu.memory_space<vmem>>, %arg2: memref<128x128xf32, #tpu.memory_space<vmem>>, %arg3: memref<1x128xf32, #tpu.memory_space<vmem>>, %arg4: memref<1x128xf32, #tpu.memory_space<vmem>>, %arg5: memref<1x128xf32, #tpu.memory_space<vmem>>, %arg6: memref<128x128xf32, #tpu.memory_space<vmem>>, %arg7: memref<1x128xf32, #tpu.memory_space<vmem>>, %arg8: memref<10000x128xf32, #tpu.memory_space<vmem>>) attributes {dimension_semantics = [], scalar_prefetch = 0 : i64, scratch_operands = 0 : i64, tpu.core_type = #tpu.core_type<tc>} {
    %get3A = arith.constant 0 : index
    %get3A_0 = arith.constant 0 : index
    %get3A_1 = vector.load %arg0[%get3A, %get3A_0] : memref<10000x128xf32, #tpu.memory_space<vmem>>, vector<10000x128xf32>
    %mul3A = arith.constant 1.000000e+00 : f32
    %mul3A_2 = vector.broadcast %mul3A : f32 to vector<10000x128xf32>
    %mul3A_3 = arith.mulf %mul3A_2, %get3A_1 : vector<10000x128xf32>
    %get3A_4 = arith.constant 0 : index
    %get3A_5 = arith.constant 0 : index
    %get3A_6 = arith.constant 0 : index
    %get3A_7 = vector.load %arg1[%get3A_4, %get3A_5, %get3A_6] : memref<2x10000x128xf32, #tpu.memory_space<vmem>>, vector<1x10000x128xf32>
    %get3A_8 = vector.shape_cast %get3A_7 : vector<1x10000x128xf32> to vector<10000x128xf32>
    %add3A = arith.addf %mul3A_3, %get3A_8 : vector<10000x128xf32>
    %get3A_9 = arith.constant 1 : index
    %get3A_10 = arith.constant 0 : index
    %get3A_11 = arith.constant 0 : index
    %get3A_12 = vector.load %arg1[%get3A_9, %get3A_10, %get3A_11] : memref<2x10000x128xf32, #tpu.memory_space<vmem>>, vector<1x10000x128xf32>
    %get3A_13 = vector.shape_cast %get3A_12 : vector<1x10000x128xf32> to vector<10000x128xf32>
    %add3A_14 = arith.addf %add3A, %get3A_13 : vector<10000x128xf32>
    %get3A_15 = arith.constant 0 : index
    %get3A_16 = arith.constant 0 : index
    %get3A_17 = vector.load %arg2[%get3A_15, %get3A_16] : memref<128x128xf32, #tpu.memory_space<vmem>>, vector<128x128xf32>
    %dot_general3A = arith.constant dense<0.000000e+00> : vector<10000x128xf32>
    %dot_general3A_18 = tpu.matmul %add3A_14, %get3A_17, %dot_general3A {dimension_numbers = #tpu.dot_dimension_numbers<[1], [0], [0], [1], [0, 0, 1, 1], [], []>, transpose_lhs_hint = false} : vector<10000x128xf32>, vector<128x128xf32>, vector<10000x128xf32> -> vector<10000x128xf32>
    %get3A_19 = arith.constant 0 : index
    %get3A_20 = arith.constant 0 : index
    %get3A_21 = vector.load %arg3[%get3A_19, %get3A_20] : memref<1x128xf32, #tpu.memory_space<vmem>>, vector<1x128xf32>
    %add3A_22 = vector.broadcast %get3A_21 : vector<1x128xf32> to vector<10000x128xf32>
    %add3A_23 = arith.addf %dot_general3A_18, %add3A_22 : vector<10000x128xf32>
    %max3A = arith.constant 0.000000e+00 : f32
    %max3A_24 = vector.broadcast %max3A : f32 to vector<10000x128xf32>
    %max3A_25 = arith.maximumf %add3A_23, %max3A_24 : vector<10000x128xf32>
    %reduce_sum3A = arith.constant dense<0.000000e+00> : vector<128xf32>
    %reduce_sum3A_26 = vector.multi_reduction <add>, %max3A_25, %reduce_sum3A [0] : vector<10000x128xf32> to vector<128xf32>
    %broadcast_in_dim3A = vector.shape_cast %reduce_sum3A_26 : vector<128xf32> to vector<1x128xf32>
    %div3A = arith.constant 1.000000e+04 : f32
    %div3A_27 = vector.broadcast %div3A : f32 to vector<1x128xf32>
    %div3A_28 = arith.divf %broadcast_in_dim3A, %div3A_27 : vector<1x128xf32>
    %sub3A = vector.broadcast %div3A_28 : vector<1x128xf32> to vector<10000x128xf32>
    %sub3A_29 = arith.subf %max3A_25, %sub3A : vector<10000x128xf32>
    %square3A = arith.mulf %sub3A_29, %sub3A_29 : vector<10000x128xf32>
    %reduce_sum3A_30 = arith.constant dense<0.000000e+00> : vector<128xf32>
    %reduce_sum3A_31 = vector.multi_reduction <add>, %square3A, %reduce_sum3A_30 [0] : vector<10000x128xf32> to vector<128xf32>
    %broadcast_in_dim3A_32 = vector.shape_cast %reduce_sum3A_31 : vector<128xf32> to vector<1x128xf32>
    %div3A_33 = arith.constant 1.000000e+04 : f32
    %div3A_34 = vector.broadcast %div3A_33 : f32 to vector<1x128xf32>
    %div3A_35 = arith.divf %broadcast_in_dim3A_32, %div3A_34 : vector<1x128xf32>
    %sub3A_36 = vector.broadcast %div3A_28 : vector<1x128xf32> to vector<10000x128xf32>
    %sub3A_37 = arith.subf %max3A_25, %sub3A_36 : vector<10000x128xf32>
    %add3A_38 = arith.constant 9.99999974E-6 : f32
    %add3A_39 = vector.broadcast %add3A_38 : f32 to vector<1x128xf32>
    %add3A_40 = arith.addf %div3A_35, %add3A_39 : vector<1x128xf32>
    %rsqrt3A = math.rsqrt %add3A_40 : vector<1x128xf32>
    %mul3A_41 = vector.broadcast %rsqrt3A : vector<1x128xf32> to vector<10000x128xf32>
    %mul3A_42 = arith.mulf %sub3A_37, %mul3A_41 : vector<10000x128xf32>
    %get3A_43 = arith.constant 0 : index
    %get3A_44 = arith.constant 0 : index
    %get3A_45 = vector.load %arg4[%get3A_43, %get3A_44] : memref<1x128xf32, #tpu.memory_space<vmem>>, vector<1x128xf32>
    %mul3A_46 = vector.broadcast %get3A_45 : vector<1x128xf32> to vector<10000x128xf32>
    %mul3A_47 = arith.mulf %mul3A_42, %mul3A_46 : vector<10000x128xf32>
    %get3A_48 = arith.constant 0 : index
    %get3A_49 = arith.constant 0 : index
    %get3A_50 = vector.load %arg5[%get3A_48, %get3A_49] : memref<1x128xf32, #tpu.memory_space<vmem>>, vector<1x128xf32>
    %add3A_51 = vector.broadcast %get3A_50 : vector<1x128xf32> to vector<10000x128xf32>
    %add3A_52 = arith.addf %mul3A_47, %add3A_51 : vector<10000x128xf32>
    %get3A_53 = arith.constant 0 : index
    %get3A_54 = arith.constant 0 : index
    %get3A_55 = vector.load %arg6[%get3A_53, %get3A_54] : memref<128x128xf32, #tpu.memory_space<vmem>>, vector<128x128xf32>
    %dot_general3A_56 = arith.constant dense<0.000000e+00> : vector<10000x128xf32>
    %dot_general3A_57 = tpu.matmul %add3A_52, %get3A_55, %dot_general3A_56 {dimension_numbers = #tpu.dot_dimension_numbers<[1], [0], [0], [1], [0, 0, 1, 1], [], []>, transpose_lhs_hint = false} : vector<10000x128xf32>, vector<128x128xf32>, vector<10000x128xf32> -> vector<10000x128xf32>
    %get3A_58 = arith.constant 0 : index
    %get3A_59 = arith.constant 0 : index
    %get3A_60 = vector.load %arg7[%get3A_58, %get3A_59] : memref<1x128xf32, #tpu.memory_space<vmem>>, vector<1x128xf32>
    %add3A_61 = vector.broadcast %get3A_60 : vector<1x128xf32> to vector<10000x128xf32>
    %add3A_62 = arith.addf %dot_general3A_57, %add3A_61 : vector<10000x128xf32>
    %swap3A = arith.constant 0 : index
    %swap3A_63 = arith.constant 0 : index
    %swap3A_64 = vector.load %arg8[%swap3A, %swap3A_63] : memref<10000x128xf32, #tpu.memory_space<vmem>>, vector<10000x128xf32>
    tpu.vector_store %arg8[%swap3A, %swap3A_63], %add3A_62 {strides = array<i32>} : memref<10000x128xf32, #tpu.memory_space<vmem>>, vector<10000x128xf32>,
    return
  }
}

</mosaic_0001>

<sc_bundles>
// kernel: kernel.4.cloned.1.call-start
scs
__scs_entry_jumppad:
0x0: {  	(pc) =	sbr.rel $0x88, $3  }
0x1: {  	(tag) =	ssettag $0x0;
	lr =	simm.s32 $0x1  }
0x2: {  	[smem:$0x3F98] =	sst lr;
	_ =	strace $0xD0000000  }
0x3: {  	_ = 	snop  }
0x4: {  	_ = 	snop  }
0x5: {  	_ = 	snop  }
0x6: {  	_ = 	snop  }
0x7: {  	_ = 	snop  }
__scs_overlays_trampoline_lowered:
0x8: {  	[smem:$0x3FA7] =	sst s0  }
0x9: {  	[smem:$0x3FA8] =	sst s1  }
0xa: {  	[smem:$0x3FA9] =	sst s2  }
0xb: {  	[smem:$0x3FAA] =	sst s3  }
0xc: {  	[smem:$0x3FAB] =	sst s4  }
0xd: {  	[smem:$0x3FAC] =	sst s5  }
0xe: {  	[smem:$0x3FAD] =	sst s6  }
0xf: {  	[smem:$0x3FAE] =	sst s7  }
0x10: {  	[smem:$0x3FAF] =	sst s8  }
0x11: {  	[smem:$0x3FB0] =	sst s9;
	s0 =	simm.s32 @!p0 $0x0  }
0x12: {  	s1 =	sld [smem:$0x3F96];
	s0 =	simm.s32 @p0 $0x1  }
0x13: {  	[smem:$0x3FB1] =	sst s0;
	s0 =	simm.s32 @!p1 $0x0  }
0x14: {  	s2 =	sld [smem:$0x3F95];
	s0 =	simm.s32 @p1 $0x1  }
0x15: {  	[smem:$0x3FB2] =	sst s0;
	s0 =	simm.s32 @!p2 $0x0  }
0x16: {  	s3 =	sld [smem:$0x3FDB];
	s0 =	simm.s32 @p2 $0x1  }
0x17: {  	s4 =	simm.s32 $0x1BF5;
	[smem:$0x3FB4] =	sst s0  }
0x18: {  	s0 =	sld [smem:$0x3F97];
	_ =	swait.ge [sflag:s4], $0x0  }
0x19: {  	s7 =	sld [smem:$0x3F98]  }
0x1a: {  	s8 =	sadd.s32 $0xFFFFE003, lr  }
0x1b: {  	s9 =	sadd.s32 $0xFFFFFEF7, lr;
	s5 =	simm.s32 $0xFFFFFFFF;
	p2 =	slt.u32 s8, $0xFFFFF086  }
0x1c: {  	p1 =	slt.u32 s9, $0xF7A;
	s5 =	simm.s32 @!p2 $0x0  }
0x1d: {  	s5 =	simm.s32 @p1 $0x1;
	p0 =	seq.s32 s7, s2  }
0x1e: {  	s7 =	smul.u32 @!p0 $0xF7A, s2;
	p2 =	seq.s32 @!p0 s5, $0x0  }
0x1f: {  	s9 =	smul.u32 $0xF7A, s1;
	s8 =	simm.s32 @!p0 $0x1BF5;
	p2 =	por !p2, p0  }
0x20: {  	[sflag:s8] =	ssyncset.s32 @!p0 $0xFFFFF086;
	s6 =	sadd.s32 @!p0 s3, s7;
	s7 =	simm.s32 @!p0 $0x108  }
0x21: {  	s3 =	sadd.s32 s3, s9;
	s6 =	sadd.s32 @!p0 $0x88, s6;
	s7 =	simm.s32 @p2 $0x1082  }
0x22: {  	[simem:s7], [sflag:s8] =	dma.local @!p0 [hbm:s6], $0xF7A  }
0x23: {  	s9 =	sor.u32 $0xD0000000, s2;
	s6 =	simm.s32 $0x108;
	_ =	swait.ge @!p0 [sflag:s8], $0x0  }
0x24: {  	s3 =	sadd.s32 $0x88, s3;
	s6 =	simm.s32 @!p1 $0x1082;
	[sflag:s4] =	ssyncset.s32 $0xFFFFF086  }
0x25: {  	[simem:s6], [sflag:s4] =	dma.local [hbm:s3], $0xF7A  }
0x26: {  	[smem:$0x3F98] =	sst s1;
	(tag) =	ssettag s2;
	_ =	strace s9  }
0x27: {  	s1 =	sld [smem:$0x3FA8]  }
0x28: {  	s2 =	sld [smem:$0x3FA9]  }
0x29: {  	s4 =	sld [smem:$0x3FAB]  }
0x2a: {  	p0 =	seq.s32 s5, $0x0;
	s5 =	sld [smem:$0x3FAC]  }
0x2b: {  	s6 =	sld [smem:$0x3FAD]  }
0x2c: {  	s7 =	sld [smem:$0x3FAE]  }
0x2d: {  	s3 =	simm.s32 $0x108;
	s8 =	sld [smem:$0x3FAF]  }
0x2e: {  	s3 =	simm.s32 @!p0 $0x1082;
	s9 =	sld [smem:$0x3FB0]  }
0x2f: {  	lr =	sadd.s32 s0, s3;
	s0 =	sld [smem:$0x3FA7]  }
0x30: {  	s3 =	sld [smem:$0x3FAA]  }
0x31: {  	[smem:$0x3FB3] =	sst s10  }
0x32: {  	s10 =	sld [smem:$0x3FB1];
	_ =	sdelay $0x3  }
0x33: {  	p0 =	seq.s32 s10, $0x1;
	s10 =	sld [smem:$0x3FB3];
	_ =	sdelay $0x3  }
0x34: {  	[smem:$0x3FB3] =	sst s10  }
0x35: {  	s10 =	sld [smem:$0x3FB2];
	_ =	sdelay $0x3  }
0x36: {  	p1 =	seq.s32 s10, $0x1;
	s10 =	sld [smem:$0x3FB3];
	_ =	sdelay $0x3  }
0x37: {  	[smem:$0x3FB3] =	sst s10  }
0x38: {  	s10 =	sld [smem:$0x3FB4]  }
0x39: {  	_ = 	snop;
	(pc) =	sbr.ind lr, $3  }
0x3a: {  	_ = 	snop  }
0x3b: {  	_ = 	snop  }
0x3c: {  	p2 =	seq.s32 s10, $0x1;
	s10 =	sld [smem:$0x3FB3]  }
0x3d: {  	_ =	shalt  }
0x3e: {  	_ =	shalt  }
0x3f: {  	_ =	shalt  }
0x40: {  	_ =	shalt  }
0x41: {  	_ =	shalt  }
0x42: {  	_ =	shalt  }
0x43: {  	_ =	shalt  }
0x44: {  	_ =	shalt  }
0x45: {  	_ =	shalt  }
0x46: {  	_ =	shalt  }
0x47: {  	_ =	shalt  }
0x48: {  	_ =	shalt  }
0x49: {  	_ =	shalt  }
0x4a: {  	_ =	shalt  }
0x4b: {  	_ =	shalt  }
0x4c: {  	_ =	shalt  }
0x4d: {  	_ =	shalt  }
0x4e: {  	_ =	shalt  }
0x4f: {  	_ =	shalt  }
0x50: {  	_ =	shalt  }
0x51: {  	_ =	shalt  }
0x52: {  	_ =	shalt  }
0x53: {  	_ =	shalt  }
0x54: {  	_ =	shalt  }
0x55: {  	_ =	shalt  }
0x56: {  	_ =	shalt  }
0x57: {  	_ =	shalt  }
0x58: {  	_ =	shalt  }
0x59: {  	_ =	shalt  }
0x5a: {  	_ =	shalt  }
0x5b: {  	_ =	shalt  }
0x5c: {  	_ =	shalt  }
0x5d: {  	_ =	shalt  }
0x5e: {  	_ =	shalt  }
0x5f: {  	_ =	shalt  }
0x60: {  	_ =	shalt  }
0x61: {  	_ =	shalt  }
0x62: {  	_ =	shalt  }
0x63: {  	_ =	shalt  }
0x64: {  	_ =	shalt  }
0x65: {  	_ =	shalt  }
0x66: {  	_ =	shalt  }
0x67: {  	_ =	shalt  }
0x68: {  	_ =	shalt  }
0x69: {  	_ =	shalt  }
0x6a: {  	_ =	shalt  }
0x6b: {  	_ =	shalt  }
0x6c: {  	_ =	shalt  }
0x6d: {  	_ =	shalt  }
0x6e: {  	_ =	shalt  }
0x6f: {  	_ =	shalt  }
0x70: {  	_ =	shalt  }
0x71: {  	_ =	shalt  }
0x72: {  	_ =	shalt  }
0x73: {  	_ =	shalt  }
0x74: {  	_ =	shalt  }
0x75: {  	_ =	shalt  }
0x76: {  	_ =	shalt  }
0x77: {  	_ =	shalt  }
0x78: {  	_ =	shalt  }
0x79: {  	_ =	shalt  }
0x7a: {  	_ =	shalt  }
0x7b: {  	_ =	shalt  }
0x7c: {  	_ =	shalt  }
0x7d: {  	_ =	shalt  }
0x7e: {  	_ =	shalt  }
0x7f: {  	_ =	shalt  }
0x80: {  	_ =	shalt  }
0x81: {  	_ =	shalt  }
0x82: {  	_ =	shalt  }
0x83: {  	_ =	shalt  }
0x84: {  	_ =	shalt  }
0x85: {  	_ =	shalt  }
0x86: {  	_ =	shalt  }
0x87: {  	_ =	shalt  }
.Lfunc_end0:
.L_simem_size_0:
called_computation_lowered:
.L_overlay_start_0:
0x88: {  	s2 =	sld [smem:$0x3FD9]  }
0x89: {  	s3 =	sld [smem:$0x3FFE];
	_ =	sdelay $0x1  }
0x8a: {  	s1 =	srdreg.scid  }
0x8b: {  	s0 =	sand.u32 $0x1, s1  }
0x8c: {  	s17 =	sshll.u32 s0, $0xA;
	s2 =	sadd.s32 s3, s2  }
0x8d: {  	s2 =	sadd.s32 s2, s17  }
0x8e: {  	[smem:$0x3FBF] =	sst s2  }
0x8f: {  	_ = 	snop  }
0x90: {  	s2 =	sld [smem:$0x3FC9]  }
0x91: {  	s18 =	sld [smem:$0x3FC7]  }
0x92: {  	s4 =	sld [smem:$0x3FD0];
	(tm) =	ssettm $0x1  }
0x93: {  	s5 =	sld [smem:$0x3FFB];
	_ =	sdelay $0x3  }
0x94: {  	_ =	strace s5  }
0x95: {  	s5 =	sld [smem:$0x3FFC];
	_ =	sdelay $0x3  }
0x96: {  	_ =	strace s5  }
0x97: {  	s5 =	sld [smem:$0x3FFD];
	_ =	sdelay $0x3  }
0x98: {  	_ =	strace s5  }
0x99: {  	_ =	strace $0x8FFFFFFF  }
0x9a: {  	s19 =	sld [smem:$0x3FDB];
	_ =	sdelay $0x1  }
0x9b: {  	s6 =	simm.s32 $_scs_section_size  }
0x9c: {  	s7 =	simm.s32 $_size__tile_overlayer_lowered;
	s8 =	simm.s32 $_tile_overlayer_lowered  }
0x9d: {  	s22 =	simm.s32 $0x1BFF;
	s21 =	sshll.u32 s8, $0x1;
	s5 =	sadd.s32 s6, s19  }
0x9e: {  	s9 =	simm.s32 $0x0;
	s20 =	sshll.u32 s7, $0x1;
	s7 =	sadd.s32 s21, s5  }
0x9f: {  	[timem:s9], [sflag:s22] =	dma.local [hbm:s7], s20  }
0xa0: {  	_ =	swait.ge [sflag:s22], s20  }
0xa1: {  	s6 =	ssub.s32 $0x0, s20;
	[sflag:s22] =	ssyncset.done $0x0  }
0xa2: {  	[sflag:s22] =	ssyncadd.s32 s6;
	_ =	sdelay $0x1  }
0xa3: {  	s23 =	simm.s32 $0x1B8B  }
0xa4: {  	_ =	swait.ge [sflag:s23], $0x1  }
0xa5: {  	[sflag:s23] =	ssyncset.done $0x0  }
0xa6: {  	s25 =	simm.s32 $0x1B8E;
	s24 =	sld [smem:$0x3FFE];
	[sflag:s23] =	ssyncadd.s32 $0xFFFFFFFF  }
0xa7: {  	s26 =	simm.s32 $execute0_lowered;
	[smem:$0x3FD2] =	sst s25  }
0xa8: {  	s7 =	sshll.u32 s26, $0x1;
	_ =	strace $0x80000046;
	[dreg:$0x1] =	wrdreg $0xFFFFFFFF  }
0xa9: {  	s28 =	simm.s32 $_size_execute0_lowered;
	s5 =	sadd.s32 s5, s7;
	[dreg:$0x0] =	wrdreg $0x0  }
0xaa: {  	s7 =	sshll.u32 s28, $0x1;
	[dreg:$0x2] =	wrdreg s5  }
0xab: {  	[dreg:$0x3] =	wrdreg s7  }
0xac: {  	[dreg:$0x4] =	wrdreg $0xC0  }
0xad: {  	_ =	task [dreg:s9], $0x5FFFF  }
0xae: {  	[dreg:$0x1] =	wrdreg $0xFFFFFFFF  }
0xaf: {  	[dreg:$0x0] =	wrdreg $0x60  }
0xb0: {  	[dreg:$0x2] =	wrdreg s24  }
0xb1: {  	[dreg:$0x3] =	wrdreg s4  }
0xb2: {  	[dreg:$0x4] =	wrdreg s2  }
0xb3: {  	[dreg:$0x5] =	wrdreg s18  }
0xb4: {  	[dreg:$0x6] =	wrdreg $0xA3000  }
0xb5: {  	[dreg:$0x7] =	wrdreg $0x9  }
0xb6: {  	_ =	task.clear_ibuf [dreg:s9], $0x8FFFF;
	_ =	strace $0x90000046  }
0xb7: {  	s29 =	simm.s32 $0x9;
	_ =	strace $0x80000048  }
0xb8: {  	_ =	swait.ge [sflag:s29], $0x1  }
0xb9: {  	[sflag:s29] =	ssyncadd.s32 $0xFFFFFFFF  }
0xba: {  	_ =	strace $0x90000048  }
0xbb: {  	_ =	sfence  }
0xbc: {  	s30 =	sld [smem:$0x0];
	_ =	sdelay $0x2  }
0xbd: {  	s31 =	sshll.u32 s1, $0xD;
	s1 =	sshrl.u32 s1, $0x2  }
0xbe: {  	s3 =	sand.u32 $0x4000, s31;
	s1 =	sadd.s32 s1, s30  }
0xbf: {  	s0 =	sor.u32 s3, s0;
	s1 =	sshll.u32 s1, $0x11  }
0xc0: {  	s0 =	sor.u32 s1, s0  }
0xc1: {  	s0 =	sadd.s32 $0x8F2B, s0  }
0xc2: {  	[sflag:s0] =	ssyncadd.remote.s32 $0x1  }
0xc3: {  	_ =	sfence.sel $0xFFFF  }
0xc4: {  	[dreg:$0x0] =	wrdreg $0xFFFFFFFF;
	(pc) =	sbr.abs _section_cstart, $3  }
0xc5: {  	[dreg:$0x1] =	wrdreg $0xFFFFFFFF  }
0xc6: {  	_ =	task.clear_ibuf [dreg:s9], $0x2FFFF;
	_ =	strace $0x9FFFFFFF  }
0xc7: {  	(tm) =	ssettm $0x7FFFFFFF  }
tec
execute0_lowered:
.L_overlay_start_1:
0x0: {  	(tag) =	ssettag $0x1  }
0x1: {  	s0 =	rddreg [dreg:$0x0]  }
0x2: {  	s1 =	rddreg [dreg:$0x1]  }
0x3: {  	s5 =	srdreg.scid;
	s24 =	stileid.u32  }
0x4: {  	s2 =	rddreg [dreg:$0x2];
	s5 =	sand.u32 $0x1, s5;
	s9 =	smul.u32 $0x2800, s24  }
0x5: {  	s3 =	rddreg [dreg:$0x3];
	s8 =	sor.u32 $0x10, s24;
	s7 =	smul.u32 $0x138800, s5  }
0x6: {  	s4 =	rddreg [dreg:$0x4];
	s11 =	sor.u32 $0x20, s24;
	s12 =	smul.u32 $0x2800, s8  }
0x7: {  	s6 =	simm.s32 $0x0;
	s14 =	sor.u32 $0x30, s24;
	s15 =	smul.u32 $0x2800, s11  }
0x8: {  	[smem:$0x7FF] =	sst s6;
	s17 =	sor.u32 $0x50, s24;
	s16 =	smul.u32 $0x2800, s14  }
0x9: {  	s19 =	sor.u32 $0x60, s24;
	s20 =	sor.u32 $0x70, s24;
	s21 =	smul.u32 $0x2800, s17  }
0xa: {  	s25 =	sadd.s32 $0xAA00, s0;
	s10 =	ssub.s32 $0x2, s5;
	s22 =	smul.u32 $0x2800, s19  }
0xb: {  	s5 =	sshll.u32 s5, $0x4;
	s23 =	smul.u32 $0x2800, s20;
	s13 =	sshrl.u32 s10, $0x1  }
0xc: {  	p0 =	sgt.u32 s20, $0x7C;
	s5 =	sor.u32 s24, s5;
	s10 =	ssub.s32 s10, s13  }
0xd: {  	s13 =	sor.u32 $0x40, s24;
	s9 =	sadd.s32 s7, s9;
	s12 =	sadd.s32 s7, s12  }
0xe: {  	s15 =	sadd.s32 s7, s15;
	s16 =	sadd.s32 s7, s16;
	s21 =	sadd.s32 s7, s21  }
0xf: {  	s22 =	sadd.s32 s7, s22;
	s18 =	smul.u32 $0x2800, s13;
	s9 =	sshrl.u32 s9, $0x3  }
0x10: {  	s12 =	sshrl.u32 s12, $0x3;
	s15 =	sshrl.u32 s15, $0x3;
	s29 =	sshrl.u32 s16, $0x3  }
0x11: {  	s31 =	sshrl.u32 s21, $0x3;
	s21 =	smul.u32 $0x2710, s5;
	s9 =	sadd.s32 s25, s9  }
0x12: {  	s26 =	sadd.s32 s25, s12;
	s28 =	sadd.s32 s25, s15;
	[dreg:$0x6] =	wrdreg s9  }
0x13: {  	s16 =	sadd.s32 s25, s31;
	s15 =	sadd.s32 $0xC00, s0;
	[dreg:$0x7] =	wrdreg s26  }
0x14: {  	s18 =	sadd.s32 s7, s18;
	s7 =	sadd.s32 s7, s23;
	[dreg:$0x8] =	wrdreg s28  }
0x15: {  	s9 =	sadd.s32 s25, s29;
	[dreg:$0xb] =	wrdreg s16;
	s28 =	smul.u32 $0xA000, s8  }
0x16: {  	s23 =	sshrl.u32 s21, $0x3;
	s26 =	sadd.s32 $0x50, s21;
	s16 =	smul.u32 $0xA000, s14  }
0x17: {  	s14 =	simm.s32 $0x7;
	s8 =	simm.s32 $0x2;
	s30 =	sshrl.u32 s18, $0x3  }
0x18: {  	[dreg:$0x9] =	wrdreg s9;
	s18 =	sshrl.u32 s22, $0x3;
	s7 =	sshrl.u32 s7, $0x3  }
0x19: {  	s22 =	smul.u32 $0x27100, s5;
	s5 =	sadd.s32 s1, s23;
	s29 =	sshrl.u32 s26, $0x3  }
0x1a: {  	s12 =	sadd.s32 s25, s30;
	s9 =	sadd.s32 s25, s18;
	s30 =	smul.u32 $0xA000, s11  }
0x1b: {  	s7 =	sadd.s32 s25, s7;
	s11 =	smul.u32 $0xA000, s24;
	[dreg:$0xa] =	wrdreg s12  }
0x1c: {  	s25 =	sadd.s32 s15, s23;
	s18 =	smul.u32 $0xA000, s13;
	[dreg:$0xc] =	wrdreg s9  }
0x1d: {  	s31 =	sadd.s32 s15, s29;
	s24 =	smul.u32 $0xA000, s19;
	[dreg:$0xd] =	wrdreg s7  }
0x1e: {  	s13 =	simm.s32 $0x9;
	_ =	strace $0x80000047;
	[dreg:$0xe] =	wrdreg s25  }
0x1f: {  	s19 =	simm.s32 $0x100;
	s0 =	sadd.s32 s3, s22;
	[dreg:$0xf] =	wrdreg s5  }
0x20: {  	s7 =	sadd.s32 s1, s29;
	s22 =	sadd.s32 $0xA0, s21;
	[dreg:$0x10] =	wrdreg s0  }
0x21: {  	s12 =	smax.u32 s10, $0x1;
	s21 =	smul.u32 $0xA000, s17;
	[dreg:$0x11] =	wrdreg s31  }
0x22: {  	s10 =	simm.s32 $0x300;
	s17 =	simm.s32 $0x5300;
	[dreg:$0x12] =	wrdreg s7  }
0x23: {  	s5 =	sshll.u32 s26, $0x4;
	[dreg:$0x14] =	wrdreg s12;
	s0 =	sshrl.u32 s28, $0x2  }
0x24: {  	s23 =	sshrl.u32 s30, $0x2;
	s7 =	sshrl.u32 s16, $0x2;
	s9 =	sshrl.u32 s18, $0x2  }
0x25: {  	s25 =	smul.u32 $0xA000, s20;
	s29 =	sshrl.u32 s24, $0x2;
	s12 =	simm.s32 $0x8  }
0x26: {  	s16 =	simm.s32 $0x280;
	s18 =	simm.s32 $0xA;
	s5 =	sadd.s32 s3, s5  }
0x27: {  	s20 =	simm.s32 $0x3;
	s0 =	sadd.s32 s0, s4;
	[dreg:$0x13] =	wrdreg s5  }
0x28: {  	s26 =	sadd.s32 s7, s4;
	s28 =	sadd.s32 s9, s4;
	[dreg:$0x16] =	wrdreg s0  }
0x29: {  	s31 =	sadd.s32 s29, s4;
	s7 =	simm.s32 $0xB;
	[dreg:$0x18] =	wrdreg s26  }
0x2a: {  	s9 =	simm.s32 $0x50;
	s5 =	sshrl.u32 s11, $0x2;
	[dreg:$0x19] =	wrdreg s28  }
.Ltmp0:
0x2b: {  	s0 =	sshrl.u32 s21, $0x2;
	s30 =	sshrl.u32 s25, $0x2;
	(pc) =	sbr.rel .LBB2_1-.Ltmp0, $4  }
0x2c: {  	[dreg:$0x1b] =	wrdreg s31;
	s11 =	simm.s32 $0x180;
	s5 =	sadd.s32 s5, s4  }
0x2d: {  	s21 =	simm.s32 $0x6;
	s0 =	sadd.s32 s0, s4;
	[dreg:$0x15] =	wrdreg s5  }
0x2e: {  	s5 =	sadd.s32 s23, s4;
	[dreg:$0x1a] =	wrdreg s0;
	s0 =	sadd.s32 s30, s4  }
0x2f: {  	v0 =	vimm.f32 $0.0e+00;
	s23 =	simm.s32 $0x4;
	[dreg:$0x17] =	wrdreg s5;
	s5 =	simm.s32 $0x2B00  }
.LBB2_16:
0x30: {  	_ =	swait.ge [sflag:s18], $0x2800  }
0x31: {  	[sflag:s18] =	ssyncset.done $0x0  }
0x32: {  	s24 =	simm.s32 $0x5;
	[sflag:s18] =	ssyncadd.s32 $0xFFFFD800  }
0x33: {  	_ =	swait.ge [sflag:s24], $0x2800  }
0x34: {  	[sflag:s24] =	ssyncset.done $0x0  }
0x35: {  	[sflag:s24] =	ssyncadd.s32 $0xFFFFD800  }
0x36: {  	s26 =	stileid.u32;
	[bflag:$0x0] =	sbarrier.arrive $0xFFFF  }
0x37: {  	s24 =	sshll.u32 s26, $0x6;
	s25 =	rddreg [dreg:$0x15]  }
0x38: {  	s24 =	sor.u32 $0x1C0B, s24;
	s26 =	rddreg [dreg:$0x6];
	s25 =	sshrl.u32 s25, $0x3  }
0x39: {  	[hbm:s26], [sflag:s24] =	dma.local [spmem:s25], $0x500  }
0x3a: {  	_ =	swait.ge [sflag:s7], $0x500  }
0x3b: {  	[sflag:s7] =	ssyncset.done $0x0;
	s28 =	rddreg [dreg:$0x16]  }
0x3c: {  	s29 =	rddreg [dreg:$0x7];
	[sflag:s7] =	ssyncadd.s32 $0xFFFFFB00;
	s25 =	sshrl.u32 s28, $0x3  }
0x3d: {  	[hbm:s29], [sflag:s24] =	dma.local [spmem:s25], $0x500  }
0x3e: {  	_ =	swait.ge [sflag:s7], $0x500  }
0x3f: {  	[sflag:s7] =	ssyncset.done $0x0;
	s30 =	rddreg [dreg:$0x17]  }
0x40: {  	s31 =	rddreg [dreg:$0x8];
	[sflag:s7] =	ssyncadd.s32 $0xFFFFFB00;
	s25 =	sshrl.u32 s30, $0x3  }
0x41: {  	[hbm:s31], [sflag:s24] =	dma.local [spmem:s25], $0x500  }
0x42: {  	_ =	swait.ge [sflag:s7], $0x500  }
0x43: {  	[sflag:s7] =	ssyncset.done $0x0;
	s28 =	rddreg [dreg:$0x18]  }
0x44: {  	s29 =	rddreg [dreg:$0x9];
	[sflag:s7] =	ssyncadd.s32 $0xFFFFFB00;
	s25 =	sshrl.u32 s28, $0x3  }
0x45: {  	[hbm:s29], [sflag:s24] =	dma.local [spmem:s25], $0x500  }
0x46: {  	_ =	swait.ge [sflag:s7], $0x500  }
0x47: {  	[sflag:s7] =	ssyncset.done $0x0;
	s30 =	rddreg [dreg:$0x19]  }
0x48: {  	s31 =	rddreg [dreg:$0xa];
	[sflag:s7] =	ssyncadd.s32 $0xFFFFFB00;
	s25 =	sshrl.u32 s30, $0x3  }
0x49: {  	[hbm:s31], [sflag:s24] =	dma.local [spmem:s25], $0x500  }
0x4a: {  	_ =	swait.ge [sflag:s7], $0x500  }
0x4b: {  	[sflag:s7] =	ssyncset.done $0x0;
	s26 =	rddreg [dreg:$0x1a]  }
0x4c: {  	s28 =	rddreg [dreg:$0xb];
	[sflag:s7] =	ssyncadd.s32 $0xFFFFFB00;
	s25 =	sshrl.u32 s26, $0x3  }
0x4d: {  	[hbm:s28], [sflag:s24] =	dma.local [spmem:s25], $0x500  }
0x4e: {  	_ =	swait.ge [sflag:s7], $0x500  }
0x4f: {  	[sflag:s7] =	ssyncset.done $0x0;
	s29 =	rddreg [dreg:$0x1b]  }
0x50: {  	s30 =	rddreg [dreg:$0xc];
	[sflag:s7] =	ssyncadd.s32 $0xFFFFFB00;
	s25 =	sshrl.u32 s29, $0x3  }
0x51: {  	[hbm:s30], [sflag:s24] =	dma.local [spmem:s25], $0x500  }
0x52: {  	_ =	swait.ge [sflag:s7], $0x500  }
0x53: {  	[sflag:s7] =	ssyncset.done $0x0  }
0x54: {  	s25 =	sshrl.u32 @!p0 s0, $0x3;
	s26 =	rddreg [dreg:$0xd];
	[sflag:s7] =	ssyncadd.s32 $0xFFFFFB00  }
0x55: {  	[hbm:s26], [sflag:s24] =	dma.local @!p0 [spmem:s25], $0x500  }
0x56: {  	s24 =	simm.s32 @!p0 $0xB  }
0x57: {  	_ =	swait.ge @!p0 [sflag:s24], $0x500  }
0x58: {  	s6 =	sadd.s32 $0x1, s6;
	s31 =	rddreg [dreg:$0x14]  }
0x59: {  	p1 =	sne.s32 s6, s31  }
.Ltmp1:
0x5a: {  	_ = 	snop;
	(pc) =	sbr.rel @!p1 .LBB2_17-.Ltmp1, $3  }
0x5b: {  	_ =	sdelay $0x1  }
0x5c: {  	[sflag:s24] =	ssyncset.done @!p0 $0x0  }
0x5d: {  	[sflag:s24] =	ssyncadd.s32 @!p0 $0xFFFFFB00  }
.LBB2_1:
0x5e: {  	s24 =	simm.s32 $0x0;
	s25 =	simm.s32 $0x200  }
.LBB2_2:
0x5f: {  	p1 =	sne.s32 s25, $0x9E00;
	[tilespmem:s24+$0x2B70] =	vst v0  }
0x60: {  	[tilespmem:s24+$0x2B00] =	vst v0  }
0x61: {  	[tilespmem:s24+$0x2B10] =	vst v0  }
.Ltmp2:
0x62: {  	[tilespmem:s24+$0x2B20] =	vst v0;
	(pc) =	sbr.rel @p1 .LBB2_2-.Ltmp2, $4  }
0x63: {  	[tilespmem:s24+$0x2B30] =	vst v0  }
0x64: {  	[tilespmem:s24+$0x2B40] =	vst v0  }
0x65: {  	[tilespmem:s24+$0x2B50] =	vst v0  }
0x66: {  	[tilespmem:s24+$0x2B60] =	vst v0;
	s24 =	sshra.s32 s25, $0x2;
	s25 =	sadd.s32 $0x200, s25  }
0x67: {  	[tilespmem:s24+$0x2B70] =	vst v0  }
0x68: {  	[tilespmem:s24+$0x2B00] =	vst v0  }
0x69: {  	[tilespmem:s24+$0x2B10] =	vst v0  }
0x6a: {  	[tilespmem:s24+$0x2B20] =	vst v0  }
0x6b: {  	[tilespmem:s24+$0x2B30] =	vst v0  }
0x6c: {  	[tilespmem:s24+$0x2B40] =	vst v0  }
0x6d: {  	[tilespmem:s24+$0x2B50] =	vst v0  }
0x6e: {  	[tilespmem:s24+$0x2B60] =	vst v0;
	s28 =	rddreg [dreg:$0x15]  }
0x6f: {  	[spmem:s28] =	stream.linear.scatter [tilespmem:s5], [sflag:$0xB], $0x2800, $0x38;
	[tilespmem:$0x1DB80] =	vst v63  }
0x70: {  	_ =	swait.ge [sflag:s7], $0x2800  }
0x71: {  	[sflag:s7] =	ssyncset.done $0x0  }
0x72: {  	s29 =	rddreg [dreg:$0x16];
	[sflag:s7] =	ssyncadd.s32 $0xFFFFD800  }
0x73: {  	[spmem:s29] =	stream.linear.scatter [tilespmem:s5], [sflag:$0xB], $0x2800, $0x38;
	[tilespmem:$0x1DB80] =	vst v63  }
0x74: {  	_ =	swait.ge [sflag:s7], $0x2800  }
0x75: {  	[sflag:s7] =	ssyncset.done $0x0  }
0x76: {  	s30 =	rddreg [dreg:$0x17];
	[sflag:s7] =	ssyncadd.s32 $0xFFFFD800  }
0x77: {  	[spmem:s30] =	stream.linear.scatter [tilespmem:s5], [sflag:$0xB], $0x2800, $0x38;
	[tilespmem:$0x1DB80] =	vst v63  }
0x78: {  	_ =	swait.ge [sflag:s7], $0x2800  }
0x79: {  	[sflag:s7] =	ssyncset.done $0x0  }
0x7a: {  	s31 =	rddreg [dreg:$0x18];
	[sflag:s7] =	ssyncadd.s32 $0xFFFFD800  }
0x7b: {  	[spmem:s31] =	stream.linear.scatter [tilespmem:s5], [sflag:$0xB], $0x2800, $0x38;
	[tilespmem:$0x1DB80] =	vst v63  }
0x7c: {  	_ =	swait.ge [sflag:s7], $0x2800  }
0x7d: {  	[sflag:s7] =	ssyncset.done $0x0  }
0x7e: {  	s25 =	rddreg [dreg:$0x19];
	[sflag:s7] =	ssyncadd.s32 $0xFFFFD800  }
0x7f: {  	[spmem:s25] =	stream.linear.scatter [tilespmem:s5], [sflag:$0xB], $0x2800, $0x38;
	[tilespmem:$0x1DB80] =	vst v63  }
0x80: {  	_ =	swait.ge [sflag:s7], $0x2800  }
0x81: {  	[sflag:s7] =	ssyncset.done $0x0  }
0x82: {  	s26 =	rddreg [dreg:$0x1a];
	[sflag:s7] =	ssyncadd.s32 $0xFFFFD800  }
0x83: {  	[spmem:s26] =	stream.linear.scatter [tilespmem:s5], [sflag:$0xB], $0x2800, $0x38;
	[tilespmem:$0x1DB80] =	vst v63  }
0x84: {  	_ =	swait.ge [sflag:s7], $0x2800  }
0x85: {  	[sflag:s7] =	ssyncset.done $0x0  }
0x86: {  	s28 =	rddreg [dreg:$0x1b];
	[sflag:s7] =	ssyncadd.s32 $0xFFFFD800  }
0x87: {  	[spmem:s28] =	stream.linear.scatter [tilespmem:s5], [sflag:$0xB], $0x2800, $0x38;
	[tilespmem:$0x1DB80] =	vst v63  }
0x88: {  	_ =	swait.ge [sflag:s7], $0x2800  }
0x89: {  	[sflag:s7] =	ssyncset.done $0x0  }
0x8a: {  	s24 =	simm.s32 @!p0 $0x2B00;
	[sflag:s7] =	ssyncadd.s32 $0xFFFFD800  }
0x8b: {  	[spmem:s0] =	stream.linear.scatter @!p0 [tilespmem:s24], [sflag:$0xB], $0x2800, $0x38;
	[tilespmem:$0x1DB80] =	vst v63  }
0x8c: {  	s24 =	simm.s32 @!p0 $0xB  }
0x8d: {  	_ =	swait.ge @!p0 [sflag:s24], $0x2800  }
0x8e: {  	[sflag:s24] =	ssyncset.done @!p0 $0x0  }
0x8f: {  	s25 =	rddreg [dreg:$0xe];
	[sflag:s24] =	ssyncadd.s32 @!p0 $0xFFFFD800;
	s24 =	simm.s32 $0x0  }
0x90: {  	[tilespmem:s24], [sflag:$0x1] =	stream.linear.gather [hbm4b:s25+s24], $0x50, $0x38;
	[tilespmem:$0x1DB80] =	vst v63  }
0x91: {  	s26 =	simm.s32 $0x80;
	s29 =	rddreg [dreg:$0xf]  }
0x92: {  	[tilespmem:s26], [sflag:$0x2] =	stream.linear.gather [hbm4b:s29+s24], $0x50, $0x38;
	[tilespmem:$0x1DB80] =	vst v63  }
0x93: {  	s31 =	simm.s32 $0x1;
	s30 =	rddreg [dreg:$0x10]  }
0x94: {  	[tilespmem:s5], [sflag:$0x4] =	stream.linear.gather [hbm4b:s30+s24], $0x2800, $0x38;
	[tilespmem:$0x1DB80] =	vst v63  }
0x95: {  	_ =	swait.ge [sflag:s31], $0x50  }
0x96: {  	[sflag:s31] =	ssyncset.done $0x0  }
0x97: {  	[sflag:s31] =	ssyncadd.s32 $0xFFFFFFB0  }
0x98: {  	[tilespmem:s10], [sflag:$0x3] =	stream.indirect.gather [hbm4b:s2+s9], $0x80, s24, s9, $0xb8;
	[tilespmem:$0x1DB80] =	vst v63  }
0x99: {  	s26 =	rddreg [dreg:$0x11]  }
0x9a: {  	[tilespmem:s11], [sflag:$0x6] =	stream.linear.gather [hbm4b:s26+s24], $0x50, $0x38;
	[tilespmem:$0x1DB80] =	vst v63  }
0x9b: {  	s29 =	simm.s32 $0x200;
	s28 =	rddreg [dreg:$0x12]  }
0x9c: {  	[tilespmem:s29], [sflag:$0x7] =	stream.linear.gather [hbm4b:s28+s24], $0x50, $0x38;
	[tilespmem:$0x1DB80] =	vst v63  }
.Ltmp3:
0x9d: {  	_ = 	snop;
	(pc) =	sbr.rel .LBB2_4-.Ltmp3, $3  }
0x9e: {  	s30 =	rddreg [dreg:$0x13];
	s31 =	simm.s32 $0x7B00  }
0x9f: {  	[tilespmem:s31], [sflag:$0x9] =	stream.linear.gather [hbm4b:s30+s24], $0x2800, $0x38;
	[tilespmem:$0x1DB80] =	vst v63  }
0xa0: {  	[bflag:$0x0] =	sbarrier.arrive $0xFFFF;
	_ =	sdelay $0x1  }
.LBB2_15:
0xa1: {  	s24 =	sadd.s32 $0x1, s24  }
0xa2: {  	p1 =	sne.s32 s24, $0x7D  }
.Ltmp4:
0xa3: {  	_ = 	snop;
	(pc) =	sbr.rel @!p1 .LBB2_16-.Ltmp4, $1  }
0xa4: {  	_ =	sdelay $0x3  }
.LBB2_4:
0xa5: {  	s25 =	sand.u32 $0x1, s24  }
0xa6: {  	p1 =	seq.s32 s25, $0x1  }
.Ltmp5:
0xa7: {  	_ = 	snop;
	(pc) =	sbr.rel @p1 .LBB2_12-.Ltmp5, $1  }
0xa8: {  	_ =	sdelay $0x3  }
0xa9: {  	p1 =	seq.s32 s24, $0x0  }
.Ltmp6:
0xaa: {  	_ = 	snop;
	(pc) =	sbr.rel @p1 .LBB2_8-.Ltmp6, $4  }
0xab: {  	_ = 	snop  }
0xac: {  	_ =	swait.ge [sflag:s20], $0x2800  }
0xad: {  	[sflag:s20] =	ssyncset.done $0x0  }
0xae: {  	[sflag:s20] =	ssyncadd.s32 $0xFFFFD800  }
0xaf: {  	p1 =	seq.s32 s24, $0x7C  }
.Ltmp7:
0xb0: {  	_ = 	snop;
	(pc) =	sbr.rel @p1 .LBB2_9-.Ltmp7, $1  }
0xb1: {  	_ =	sdelay $0x3  }
0xb2: {  	_ =	swait.ge [sflag:s18], $0x2800  }
0xb3: {  	[sflag:s18] =	ssyncset.done $0x0  }
0xb4: {  	[sflag:s18] =	ssyncadd.s32 $0xFFFFD800  }
.LBB2_8:
0xb5: {  	_ =	swait.ge [sflag:s21], $0x50  }
0xb6: {  	[sflag:s21] =	ssyncset.done $0x0  }
0xb7: {  	[sflag:s21] =	ssyncadd.s32 $0xFFFFFFB0  }
0xb8: {  	[tilespmem:s17], [sflag:$0x8] =	stream.indirect.gather [hbm4b:s2+s9], $0x80, s11, s9, $0xb8;
	[tilespmem:$0x1DB80] =	vst v63  }
.LBB2_9:
0xb9: {  	_ =	swait.ge [sflag:s23], $0x2800  }
0xba: {  	[sflag:s23] =	ssyncset.done $0x0  }
0xbb: {  	s26 =	simm.s32 $0x400;
	[sflag:s23] =	ssyncadd.s32 $0xFFFFD800  }
0xbc: {  	s28 =	simm.s32 $0x2C00;
	v1 =	vld [tilespmem:s26+$0x80]  }
0xbd: {  	v2 =	vld [tilespmem:s28+$0x80]  }
0xbe: {  	v3 =	vld [tilespmem:s28+$0xFFFFFF00]  }
0xbf: {  	v4 =	vld [tilespmem:s26+$0xFFFFFF80]  }
0xc0: {  	v5 =	vld [tilespmem:s28+$0xFFFFFF80]  }
0xc1: {  	v6 =	vld [tilespmem:s28+$0x0]  }
0xc2: {  	v1 =	vadd.f32 v2, v1;
	v2 =	vld [tilespmem:s26+$0x0]  }
0xc3: {  	v7 =	vld [tilespmem:s26+$0xFFFFFF00]  }
0xc4: {  	v1 =	vmax.f32 v1, $0.0e+00  }
0xc5: {  	v4 =	vadd.f32 v5, v4;
	[tilespmem:s26+$0x80] =	vst v1;
	v1 =	vld [tilespmem:s26+$0x90]  }
0xc6: {  	v8 =	vld [tilespmem:s28+$0x90]  }
0xc7: {  	v9 =	vld [tilespmem:s26+$0xFFFFFF90];
	v4 =	vmax.f32 v4, $0.0e+00;
	v2 =	vadd.f32 v6, v2  }
0xc8: {  	v5 =	vld [tilespmem:s26+$0xFFFFFF10];
	v3 =	vadd.f32 v3, v7;
	[tilespmem:s26+$0xFFFFFF80] =	vst v4  }
0xc9: {  	v6 =	vld [tilespmem:s28+$0xFFFFFF90];
	v2 =	vmax.f32 v2, $0.0e+00  }
0xca: {  	v3 =	vmax.f32 v3, $0.0e+00;
	v4 =	vld [tilespmem:s26+$0x10];
	[tilespmem:s26+$0x0] =	vst v2  }
0xcb: {  	[tilespmem:s26+$0xFFFFFF00] =	vst v3;
	v1 =	vadd.f32 v8, v1;
	v2 =	vld [tilespmem:s28+$0x10]  }
0xcc: {  	v3 =	vld [tilespmem:s28+$0xFFFFFF10]  }
0xcd: {  	v1 =	vmax.f32 v1, $0.0e+00  }
0xce: {  	v6 =	vadd.f32 v6, v9;
	[tilespmem:s26+$0x90] =	vst v1;
	v1 =	vld [tilespmem:s26+$0xA0]  }
0xcf: {  	v8 =	vld [tilespmem:s28+$0xA0]  }
0xd0: {  	v7 =	vld [tilespmem:s26+$0xFFFFFF20];
	v6 =	vmax.f32 v6, $0.0e+00;
	v2 =	vadd.f32 v2, v4  }
0xd1: {  	v3 =	vadd.f32 v3, v5;
	v9 =	vld [tilespmem:s26+$0xFFFFFFA0];
	[tilespmem:s26+$0xFFFFFF90] =	vst v6  }
0xd2: {  	v5 =	vld [tilespmem:s28+$0xFFFFFFA0];
	v2 =	vmax.f32 v2, $0.0e+00  }
0xd3: {  	v3 =	vmax.f32 v3, $0.0e+00;
	v4 =	vld [tilespmem:s26+$0x20];
	[tilespmem:s26+$0x10] =	vst v2  }
0xd4: {  	[tilespmem:s26+$0xFFFFFF10] =	vst v3;
	v1 =	vadd.f32 v8, v1;
	v2 =	vld [tilespmem:s28+$0x20]  }
0xd5: {  	v3 =	vld [tilespmem:s28+$0xFFFFFF20]  }
0xd6: {  	v1 =	vmax.f32 v1, $0.0e+00  }
0xd7: {  	v5 =	vadd.f32 v5, v9;
	[tilespmem:s26+$0xA0] =	vst v1;
	v1 =	vld [tilespmem:s26+$0xB0]  }
0xd8: {  	v8 =	vld [tilespmem:s28+$0xB0]  }
0xd9: {  	v10 =	vld [tilespmem:s26+$0x30];
	v5 =	vmax.f32 v5, $0.0e+00;
	v2 =	vadd.f32 v2, v4  }
0xda: {  	v3 =	vadd.f32 v3, v7;
	v9 =	vld [tilespmem:s26+$0xFFFFFFB0];
	[tilespmem:s26+$0xFFFFFFA0] =	vst v5  }
0xdb: {  	v4 =	vld [tilespmem:s28+$0xFFFFFFB0];
	v2 =	vmax.f32 v2, $0.0e+00  }
0xdc: {  	v6 =	vld [tilespmem:s26+$0xFFFFFF30];
	[tilespmem:s26+$0x20] =	vst v2;
	v2 =	vmax.f32 v3, $0.0e+00  }
0xdd: {  	v1 =	vadd.f32 v8, v1;
	[tilespmem:s26+$0xFFFFFF20] =	vst v2;
	v2 =	vld [tilespmem:s28+$0x30]  }
0xde: {  	v7 =	vld [tilespmem:s28+$0xFFFFFF30]  }
0xdf: {  	v11 =	vld [tilespmem:s26+$0xFFFFFF40];
	v1 =	vmax.f32 v1, $0.0e+00  }
0xe0: {  	v4 =	vadd.f32 v4, v9;
	[tilespmem:s26+$0xB0] =	vst v1;
	v1 =	vld [tilespmem:s26+$0xC0]  }
0xe1: {  	v8 =	vld [tilespmem:s28+$0xC0]  }
0xe2: {  	v12 =	vld [tilespmem:s26+$0xFFFFFFD0];
	v4 =	vmax.f32 v4, $0.0e+00;
	v2 =	vadd.f32 v2, v10  }
0xe3: {  	v5 =	vld [tilespmem:s26+$0xFFFFFFC0];
	[tilespmem:s26+$0xFFFFFFB0] =	vst v4;
	v6 =	vadd.f32 v7, v6  }
0xe4: {  	v7 =	vld [tilespmem:s28+$0xFFFFFFC0];
	v2 =	vmax.f32 v2, $0.0e+00  }
0xe5: {  	v3 =	vld [tilespmem:s26+$0x40];
	[tilespmem:s26+$0x30] =	vst v2;
	v2 =	vmax.f32 v6, $0.0e+00  }
0xe6: {  	v1 =	vadd.f32 v8, v1;
	v6 =	vld [tilespmem:s28+$0x40];
	[tilespmem:s26+$0xFFFFFF30] =	vst v2  }
0xe7: {  	v2 =	vld [tilespmem:s28+$0xFFFFFF40]  }
0xe8: {  	v9 =	vld [tilespmem:s26+$0xFFFFFF50];
	v1 =	vmax.f32 v1, $0.0e+00  }
0xe9: {  	[tilespmem:s26+$0xC0] =	vst v1;
	v1 =	vadd.f32 v7, v5;
	v7 =	vld [tilespmem:s26+$0xD0]  }
0xea: {  	v8 =	vld [tilespmem:s28+$0xD0]  }
0xeb: {  	v4 =	vld [tilespmem:s26+$0xFFFFFF60];
	v1 =	vmax.f32 v1, $0.0e+00;
	v3 =	vadd.f32 v6, v3  }
0xec: {  	v10 =	vld [tilespmem:s26+$0x50];
	[tilespmem:s26+$0xFFFFFFC0] =	vst v1;
	v1 =	vadd.f32 v2, v11  }
0xed: {  	v2 =	vld [tilespmem:s28+$0xFFFFFFD0];
	v3 =	vmax.f32 v3, $0.0e+00  }
0xee: {  	v5 =	vld [tilespmem:s26+$0xFFFFFFE0];
	[tilespmem:s26+$0x40] =	vst v3;
	v1 =	vmax.f32 v1, $0.0e+00  }
0xef: {  	v3 =	vld [tilespmem:s28+$0x50];
	v7 =	vadd.f32 v8, v7;
	[tilespmem:s26+$0xFFFFFF40] =	vst v1  }
0xf0: {  	v1 =	vld [tilespmem:s28+$0xFFFFFF50]  }
0xf1: {  	v6 =	vld [tilespmem:s26+$0x60];
	v7 =	vmax.f32 v7, $0.0e+00  }
0xf2: {  	v2 =	vadd.f32 v2, v12;
	[tilespmem:s26+$0xD0] =	vst v7;
	v7 =	vld [tilespmem:s26+$0xE0]  }
0xf3: {  	v11 =	vld [tilespmem:s28+$0xE0]  }
0xf4: {  	v2 =	vmax.f32 v2, $0.0e+00;
	v8 =	vadd.f32 v3, v10;
	v3 =	vld [tilespmem:s26+$0xFFFFFF70]  }
0xf5: {  	[tilespmem:s26+$0xFFFFFFD0] =	vst v2;
	v1 =	vadd.f32 v1, v9;
	v2 =	vld [tilespmem:s26+$0xFFFFFFF0]  }
0xf6: {  	v9 =	vmax.f32 v8, $0.0e+00;
	v8 =	vld [tilespmem:s28+$0xFFFFFFE0]  }
0xf7: {  	[tilespmem:s26+$0x50] =	vst v9;
	v9 =	vmax.f32 v1, $0.0e+00;
	v1 =	vld [tilespmem:s26+$0x70]  }
0xf8: {  	[tilespmem:s26+$0xFFFFFF50] =	vst v9;
	v9 =	vld [tilespmem:s28+$0x60];
	v7 =	vadd.f32 v11, v7  }
0xf9: {  	v10 =	vld [tilespmem:s28+$0xFFFFFF60]  }
0xfa: {  	s29 =	simm.s32 $0x0;
	s30 =	simm.s32 $0x600;
	s31 =	simm.s32 $0x2C00;
	v11 =	vmax.f32 v7, $0.0e+00;
	v7 =	vld [tilespmem:s26+$0xF0]  }
.LBB2_10:
0xfb: {  	v12 =	vld [tilespmem:s30+$0x80];
	v5 =	vadd.f32 v8, v5;
	[tilespmem:s26+$0xE0] =	vst v11  }
0xfc: {  	s31 =	sadd.s32 $0x200, s31;
	v8 =	vld [tilespmem:s28+$0xF0]  }
0xfd: {  	s29 =	sadd.s32 $0x4, s29;
	v11 =	vld [tilespmem:s31+$0x80];
	v5 =	vmax.f32 v5, $0.0e+00;
	v6 =	vadd.f32 v9, v6  }
0xfe: {  	p1 =	slt.u32 s29, $0x4C;
	v9 =	vld [tilespmem:s31+$0xFFFFFF00];
	v4 =	vadd.f32 v10, v4;
	[tilespmem:s26+$0xFFFFFFE0] =	vst v5  }
0xff: {  	v5 =	vld [tilespmem:s30+$0xFFFFFF80];
	v6 =	vmax.f32 v6, $0.0e+00  }
0x100: {  	v10 =	vld [tilespmem:s31+$0xFFFFFF80];
	v4 =	vmax.f32 v4, $0.0e+00;
	[tilespmem:s26+$0x60] =	vst v6  }
0x101: {  	v6 =	vld [tilespmem:s30+$0x0];
	[tilespmem:s26+$0xFFFFFF60] =	vst v4;
	v4 =	vadd.f32 v8, v7  }
0x102: {  	v7 =	vld [tilespmem:s31+$0x0];
	v8 =	vadd.f32 v11, v12  }
0x103: {  	v11 =	vld [tilespmem:s30+$0xFFFFFF00];
	v4 =	vmax.f32 v4, $0.0e+00  }
0x104: {  	v12 =	vld [tilespmem:s30+$0xFFFFFF10];
	v8 =	vmax.f32 v8, $0.0e+00;
	[tilespmem:s26+$0xF0] =	vst v4  }
0x105: {  	v4 =	vadd.f32 v10, v5;
	[tilespmem:s30+$0x80] =	vst v8;
	v5 =	vld [tilespmem:s30+$0x90]  }
0x106: {  	v8 =	vld [tilespmem:s31+$0x90]  }
0x107: {  	v4 =	vmax.f32 v4, $0.0e+00;
	v10 =	vld [tilespmem:s30+$0xFFFFFF90];
	v6 =	vadd.f32 v7, v6  }
0x108: {  	v7 =	vadd.f32 v9, v11;
	[tilespmem:s30+$0xFFFFFF80] =	vst v4;
	v4 =	vld [tilespmem:s30+$0x10]  }
0x109: {  	v9 =	vld [tilespmem:s31+$0xFFFFFF90];
	v6 =	vmax.f32 v6, $0.0e+00  }
0x10a: {  	v7 =	vmax.f32 v7, $0.0e+00;
	v11 =	vld [tilespmem:s30+$0xFFFFFF20];
	[tilespmem:s30+$0x0] =	vst v6  }
0x10b: {  	[tilespmem:s30+$0xFFFFFF00] =	vst v7;
	v6 =	vld [tilespmem:s31+$0x10];
	v5 =	vadd.f32 v8, v5  }
0x10c: {  	v7 =	vld [tilespmem:s31+$0xFFFFFF10]  }
0x10d: {  	v8 =	vld [tilespmem:s30+$0xFFFFFFA0];
	v5 =	vmax.f32 v5, $0.0e+00  }
0x10e: {  	v9 =	vadd.f32 v9, v10;
	[tilespmem:s30+$0x90] =	vst v5;
	v5 =	vld [tilespmem:s30+$0xA0]  }
0x10f: {  	v10 =	vld [tilespmem:s31+$0xA0]  }
0x110: {  	v9 =	vmax.f32 v9, $0.0e+00;
	v4 =	vadd.f32 v6, v4;
	v6 =	vld [tilespmem:s30+$0x20]  }
0x111: {  	v7 =	vadd.f32 v7, v12;
	v12 =	vld [tilespmem:s30+$0xFFFFFF30];
	[tilespmem:s30+$0xFFFFFF90] =	vst v9  }
0x112: {  	v9 =	vld [tilespmem:s31+$0xFFFFFFA0];
	v4 =	vmax.f32 v4, $0.0e+00  }
0x113: {  	v7 =	vmax.f32 v7, $0.0e+00;
	v13 =	vld [tilespmem:s30+$0xFFFFFFB0];
	[tilespmem:s30+$0x10] =	vst v4  }
0x114: {  	[tilespmem:s30+$0xFFFFFF10] =	vst v7;
	v4 =	vld [tilespmem:s31+$0x20];
	v5 =	vadd.f32 v10, v5  }
0x115: {  	v7 =	vld [tilespmem:s31+$0xFFFFFF20]  }
0x116: {  	v10 =	vld [tilespmem:s30+$0x30];
	v5 =	vmax.f32 v5, $0.0e+00  }
0x117: {  	v8 =	vadd.f32 v9, v8;
	[tilespmem:s30+$0xA0] =	vst v5;
	v5 =	vld [tilespmem:s30+$0xB0]  }
0x118: {  	v9 =	vld [tilespmem:s31+$0xB0]  }
0x119: {  	v14 =	vld [tilespmem:s30+$0xFFFFFF40];
	v8 =	vmax.f32 v8, $0.0e+00;
	v4 =	vadd.f32 v4, v6  }
0x11a: {  	v6 =	vadd.f32 v7, v11;
	[tilespmem:s30+$0xFFFFFFA0] =	vst v8;
	v7 =	vld [tilespmem:s30+$0xFFFFFFC0]  }
0x11b: {  	v8 =	vld [tilespmem:s31+$0xFFFFFFB0];
	v4 =	vmax.f32 v4, $0.0e+00  }
0x11c: {  	v6 =	vmax.f32 v6, $0.0e+00;
	[tilespmem:s30+$0x20] =	vst v4;
	v11 =	vld [tilespmem:s30+$0x40]  }
0x11d: {  	[tilespmem:s30+$0xFFFFFF20] =	vst v6;
	v4 =	vld [tilespmem:s31+$0x30];
	v5 =	vadd.f32 v9, v5  }
0x11e: {  	v6 =	vld [tilespmem:s31+$0xFFFFFF30]  }
0x11f: {  	v9 =	vld [tilespmem:s30+$0xFFFFFF50];
	v5 =	vmax.f32 v5, $0.0e+00  }
0x120: {  	v8 =	vadd.f32 v8, v13;
	[tilespmem:s30+$0xB0] =	vst v5;
	v5 =	vld [tilespmem:s30+$0xC0]  }
0x121: {  	v13 =	vld [tilespmem:s31+$0xC0]  }
0x122: {  	v8 =	vmax.f32 v8, $0.0e+00;
	v15 =	vld [tilespmem:s30+$0xFFFFFFD0];
	v4 =	vadd.f32 v4, v10  }
0x123: {  	v6 =	vadd.f32 v6, v12;
	[tilespmem:s30+$0xFFFFFFB0] =	vst v8;
	v8 =	vld [tilespmem:s30+$0x50]  }
0x124: {  	v10 =	vld [tilespmem:s31+$0xFFFFFFC0];
	v12 =	vmax.f32 v4, $0.0e+00  }
0x125: {  	v6 =	vmax.f32 v6, $0.0e+00;
	v4 =	vld [tilespmem:s30+$0xFFFFFF60];
	[tilespmem:s30+$0x30] =	vst v12  }
0x126: {  	[tilespmem:s30+$0xFFFFFF30] =	vst v6;
	v6 =	vld [tilespmem:s31+$0x40];
	v12 =	vadd.f32 v13, v5  }
0x127: {  	v13 =	vld [tilespmem:s31+$0xFFFFFF40]  }
0x128: {  	v5 =	vld [tilespmem:s30+$0xFFFFFFE0];
	v12 =	vmax.f32 v12, $0.0e+00  }
0x129: {  	v7 =	vadd.f32 v10, v7;
	[tilespmem:s30+$0xC0] =	vst v12;
	v10 =	vld [tilespmem:s30+$0xD0]  }
0x12a: {  	v12 =	vld [tilespmem:s31+$0xD0]  }
0x12b: {  	v7 =	vmax.f32 v7, $0.0e+00;
	v11 =	vadd.f32 v6, v11;
	v6 =	vld [tilespmem:s30+$0x60]  }
0x12c: {  	v13 =	vadd.f32 v13, v14;
	[tilespmem:s30+$0xFFFFFFC0] =	vst v7;
	v7 =	vld [tilespmem:s28+$0xFFFFFF70]  }
0x12d: {  	v14 =	vld [tilespmem:s31+$0xFFFFFFD0];
	v11 =	vmax.f32 v11, $0.0e+00  }
0x12e: {  	v13 =	vmax.f32 v13, $0.0e+00;
	[tilespmem:s30+$0x40] =	vst v11;
	v11 =	vld [tilespmem:s28+$0xFFFFFFF0]  }
0x12f: {  	[tilespmem:s30+$0xFFFFFF40] =	vst v13;
	v13 =	vld [tilespmem:s31+$0x50];
	v10 =	vadd.f32 v12, v10  }
0x130: {  	v12 =	vld [tilespmem:s31+$0xFFFFFF50]  }
0x131: {  	v10 =	vmax.f32 v10, $0.0e+00;
	v3 =	vadd.f32 v7, v3;
	v7 =	vld [tilespmem:s28+$0x70];
	s28 =	smov.u32 s31  }
0x132: {  	v14 =	vadd.f32 v14, v15;
	[tilespmem:s30+$0xD0] =	vst v10;
	v10 =	vld [tilespmem:s30+$0xE0]  }
0x133: {  	v15 =	vld [tilespmem:s31+$0xE0];
	v16 =	vmax.f32 v3, $0.0e+00;
	v11 =	vadd.f32 v11, v2  }
0x134: {  	v3 =	vld [tilespmem:s30+$0xFFFFFF70];
	v2 =	vmax.f32 v14, $0.0e+00;
	v13 =	vadd.f32 v13, v8;
	[tilespmem:s26+$0xFFFFFF70] =	vst v16  }
0x135: {  	v9 =	vadd.f32 v12, v9;
	[tilespmem:s30+$0xFFFFFFD0] =	vst v2;
	v2 =	vld [tilespmem:s30+$0xFFFFFFF0];
	v11 =	vmax.f32 v11, $0.0e+00  }
.Ltmp8:
0x136: {  	v8 =	vld [tilespmem:s31+$0xFFFFFFE0];
	v12 =	vmax.f32 v13, $0.0e+00;
	[tilespmem:s26+$0xFFFFFFF0] =	vst v11;
	v7 =	vadd.f32 v7, v1;
	(pc) =	sbr.rel @p1 .LBB2_10-.Ltmp8, $4  }
0x137: {  	v9 =	vmax.f32 v9, $0.0e+00;
	[tilespmem:s30+$0x50] =	vst v12;
	v1 =	vld [tilespmem:s30+$0x70]  }
0x138: {  	[tilespmem:s30+$0xFFFFFF50] =	vst v9;
	v9 =	vld [tilespmem:s31+$0x60];
	v11 =	vadd.f32 v15, v10;
	v7 =	vmax.f32 v7, $0.0e+00  }
0x139: {  	v10 =	vld [tilespmem:s31+$0xFFFFFF60];
	[tilespmem:s26+$0x70] =	vst v7;
	s26 =	smov.u32 s30  }
0x13a: {  	s30 =	sadd.s32 $0x200, s30;
	v11 =	vmax.f32 v11, $0.0e+00;
	v7 =	vld [tilespmem:s26+$0xF0]  }
0x13b: {  	_ = 	snop  }
0x13c: {  	v5 =	vadd.f32 v8, v5  }
0x13d: {  	v6 =	vadd.f32 v9, v6  }
0x13e: {  	[tilespmem:s26+$0xE0] =	vst v11;
	v5 =	vmax.f32 v5, $0.0e+00;
	v4 =	vadd.f32 v10, v4  }
0x13f: {  	v56 =	vld [tilespmem:s28+$0xF0];
	[tilespmem:s26+$0xFFFFFFE0] =	vst v5;
	v57 =	vmax.f32 v6, $0.0e+00  }
0x140: {  	v59 =	vld [tilespmem:s28+$0xFFFFFFF0];
	v4 =	vmax.f32 v4, $0.0e+00;
	[tilespmem:s26+$0x60] =	vst v57  }
0x141: {  	[tilespmem:s26+$0xFFFFFF60] =	vst v4;
	v60 =	vld [tilespmem:s28+$0x70]  }
0x142: {  	v58 =	vld [tilespmem:s28+$0xFFFFFF70];
	_ =	sdelay $0x1  }
0x143: {  	v7 =	vadd.f32 v56, v7  }
0x144: {  	v2 =	vadd.f32 v59, v2  }
0x145: {  	v61 =	vmax.f32 v7, $0.0e+00;
	v1 =	vadd.f32 v60, v1  }
0x146: {  	[tilespmem:s26+$0xF0] =	vst v61;
	v2 =	vmax.f32 v2, $0.0e+00;
	v3 =	vadd.f32 v58, v3  }
0x147: {  	[tilespmem:s26+$0xFFFFFFF0] =	vst v2;
	v1 =	vmax.f32 v1, $0.0e+00  }
0x148: {  	v3 =	vmax.f32 v3, $0.0e+00;
	[tilespmem:s26+$0x70] =	vst v1  }
0x149: {  	[tilespmem:s26+$0xFFFFFF70] =	vst v3  }
0x14a: {  	_ =	swait.ge [sflag:s8], $0x50  }
0x14b: {  	[sflag:s8] =	ssyncset.done $0x0  }
0x14c: {  	[sflag:s8] =	ssyncadd.s32 $0xFFFFFFB0  }
0x14d: {  	v1 =	vld [tilespmem:$0x80]  }
0x14e: {  	v2 =	vld [tilespmem:$0x90]  }
0x14f: {  	v3 =	vld [tilespmem:$0xA0]  }
0x150: {  	v62 =	vld [tilespmem:$0xB0]  }
0x151: {  	v63 =	vld [tilespmem:$0xC0]  }
0x152: {  	p1 =	sgt.u32 s24, $0x7A;
	[tilespmem:$0x100] =	vst v1  }
0x153: {  	s26 =	smul.u32 @!p1 $0x50, s24;
	[tilespmem:$0x110] =	vst v2  }
0x154: {  	[tilespmem:$0x120] =	vst v3  }
0x155: {  	s26 =	sadd.s32 @!p1 s26, s22;
	[tilespmem:$0x130] =	vst v62  }
0x156: {  	s28 =	sshrl.u32 @!p1 s26, $0x3;
	[tilespmem:$0x140] =	vst v63  }
0x157: {  	[spmem:s4] =	stream.indirect.scatter.add.f32 [tilespmem:s10], [sflag:$0x5], $0x80, s19, s9, $0xb8;
	[tilespmem:$0x1DB80] =	vst v63  }
0x158: {  	s30 =	simm.s32 @!p1 $0x0;
	s29 =	sadd.s32 @!p1 s15, s28  }
0x159: {  	[tilespmem:s30], [sflag:$0x1] =	stream.linear.gather @!p1 [hbm4b:s29+s30], $0x50, $0x38;
	[tilespmem:$0x1DB80] =	vst v63  }
0x15a: {  	s26 =	sshll.u32 @!p1 s26, $0x4;
	s28 =	sadd.s32 @!p1 s1, s28;
	s29 =	simm.s32 @!p1 $0x80  }
0x15b: {  	[tilespmem:s29], [sflag:$0x2] =	stream.linear.gather @!p1 [hbm4b:s28+s30], $0x50, $0x38;
	[tilespmem:$0x1DB80] =	vst v63  }
0x15c: {  	s26 =	sadd.s32 @!p1 s3, s26;
	s28 =	simm.s32 @!p1 $0x2B00  }
0x15d: {  	[tilespmem:s28], [sflag:$0x4] =	stream.linear.gather @!p1 [hbm4b:s26+s30], $0x2800, $0x38;
	[tilespmem:$0x1DB80] =	vst v63  }
0x15e: {  	p1 =	seq.s32 s25, $0x0  }
.Ltmp9:
0x15f: {  	_ = 	snop;
	(pc) =	sbr.rel @p1 .LBB2_15-.Ltmp9, $1  }
0x160: {  	_ =	sdelay $0x3  }
.LBB2_12:
0x161: {  	_ =	swait.ge [sflag:s12], $0x2800  }
0x162: {  	p1 =	seq.s32 s24, $0x7C;
	[sflag:s12] =	ssyncset.done $0x0  }
0x163: {  	s25 =	simm.s32 @!p1 $0x5;
	[sflag:s12] =	ssyncadd.s32 $0xFFFFD800  }
0x164: {  	_ =	swait.ge @!p1 [sflag:s25], $0x2800  }
0x165: {  	[sflag:s25] =	ssyncset.done @!p1 $0x0  }
0x166: {  	[sflag:s25] =	ssyncadd.s32 @!p1 $0xFFFFD800;
	s25 =	simm.s32 @!p1 $0x1  }
0x167: {  	_ =	swait.ge @!p1 [sflag:s25], $0x50  }
0x168: {  	s26 =	simm.s32 @!p1 $0x0;
	[sflag:s25] =	ssyncset.done @!p1 $0x0  }
0x169: {  	s28 =	simm.s32 @!p1 $0x300;
	[sflag:s25] =	ssyncadd.s32 @!p1 $0xFFFFFFB0;
	s25 =	simm.s32 @!p1 $0x50  }
0x16a: {  	[tilespmem:s28], [sflag:$0x3] =	stream.indirect.gather @!p1 [hbm4b:s2+s25], $0x80, s26, s25, $0xb8;
	[tilespmem:$0x1DB80] =	vst v63  }
0x16b: {  	_ =	swait.ge [sflag:s13], $0x2800  }
0x16c: {  	[sflag:s13] =	ssyncset.done $0x0  }
0x16d: {  	s25 =	simm.s32 $0x5400;
	[sflag:s13] =	ssyncadd.s32 $0xFFFFD800  }
0x16e: {  	s26 =	simm.s32 $0x7C00;
	v1 =	vld [tilespmem:s25+$0x80]  }
0x16f: {  	v2 =	vld [tilespmem:s26+$0x80]  }
0x170: {  	v3 =	vld [tilespmem:s26+$0xFFFFFF00]  }
0x171: {  	v4 =	vld [tilespmem:s25+$0xFFFFFF80]  }
0x172: {  	v5 =	vld [tilespmem:s26+$0xFFFFFF80]  }
0x173: {  	v6 =	vld [tilespmem:s26+$0x0]  }
0x174: {  	v1 =	vadd.f32 v2, v1;
	v2 =	vld [tilespmem:s25+$0x0]  }
0x175: {  	v7 =	vld [tilespmem:s25+$0xFFFFFF00]  }
0x176: {  	v1 =	vmax.f32 v1, $0.0e+00  }
0x177: {  	v4 =	vadd.f32 v5, v4;
	[tilespmem:s25+$0x80] =	vst v1;
	v1 =	vld [tilespmem:s25+$0x90]  }
0x178: {  	v8 =	vld [tilespmem:s26+$0x90]  }
0x179: {  	v9 =	vld [tilespmem:s25+$0xFFFFFF90];
	v4 =	vmax.f32 v4, $0.0e+00;
	v2 =	vadd.f32 v6, v2  }
0x17a: {  	v5 =	vld [tilespmem:s25+$0xFFFFFF10];
	v3 =	vadd.f32 v3, v7;
	[tilespmem:s25+$0xFFFFFF80] =	vst v4  }
0x17b: {  	v6 =	vld [tilespmem:s26+$0xFFFFFF90];
	v2 =	vmax.f32 v2, $0.0e+00  }
0x17c: {  	v3 =	vmax.f32 v3, $0.0e+00;
	v4 =	vld [tilespmem:s25+$0x10];
	[tilespmem:s25+$0x0] =	vst v2  }
0x17d: {  	[tilespmem:s25+$0xFFFFFF00] =	vst v3;
	v1 =	vadd.f32 v8, v1;
	v2 =	vld [tilespmem:s26+$0x10]  }
0x17e: {  	v3 =	vld [tilespmem:s26+$0xFFFFFF10]  }
0x17f: {  	v1 =	vmax.f32 v1, $0.0e+00  }
0x180: {  	v6 =	vadd.f32 v6, v9;
	[tilespmem:s25+$0x90] =	vst v1;
	v1 =	vld [tilespmem:s25+$0xA0]  }
0x181: {  	v8 =	vld [tilespmem:s26+$0xA0]  }
0x182: {  	v7 =	vld [tilespmem:s25+$0xFFFFFF20];
	v6 =	vmax.f32 v6, $0.0e+00;
	v2 =	vadd.f32 v2, v4  }
0x183: {  	v3 =	vadd.f32 v3, v5;
	v9 =	vld [tilespmem:s25+$0xFFFFFFA0];
	[tilespmem:s25+$0xFFFFFF90] =	vst v6  }
0x184: {  	v5 =	vld [tilespmem:s26+$0xFFFFFFA0];
	v2 =	vmax.f32 v2, $0.0e+00  }
0x185: {  	v3 =	vmax.f32 v3, $0.0e+00;
	v4 =	vld [tilespmem:s25+$0x20];
	[tilespmem:s25+$0x10] =	vst v2  }
0x186: {  	[tilespmem:s25+$0xFFFFFF10] =	vst v3;
	v1 =	vadd.f32 v8, v1;
	v2 =	vld [tilespmem:s26+$0x20]  }
0x187: {  	v3 =	vld [tilespmem:s26+$0xFFFFFF20]  }
0x188: {  	v1 =	vmax.f32 v1, $0.0e+00  }
0x189: {  	v5 =	vadd.f32 v5, v9;
	[tilespmem:s25+$0xA0] =	vst v1;
	v1 =	vld [tilespmem:s25+$0xB0]  }
0x18a: {  	v8 =	vld [tilespmem:s26+$0xB0]  }
0x18b: {  	v10 =	vld [tilespmem:s25+$0x30];
	v5 =	vmax.f32 v5, $0.0e+00;
	v2 =	vadd.f32 v2, v4  }
0x18c: {  	v3 =	vadd.f32 v3, v7;
	v9 =	vld [tilespmem:s25+$0xFFFFFFB0];
	[tilespmem:s25+$0xFFFFFFA0] =	vst v5  }
0x18d: {  	v4 =	vld [tilespmem:s26+$0xFFFFFFB0];
	v2 =	vmax.f32 v2, $0.0e+00  }
0x18e: {  	v6 =	vld [tilespmem:s25+$0xFFFFFF30];
	[tilespmem:s25+$0x20] =	vst v2;
	v2 =	vmax.f32 v3, $0.0e+00  }
0x18f: {  	v1 =	vadd.f32 v8, v1;
	[tilespmem:s25+$0xFFFFFF20] =	vst v2;
	v2 =	vld [tilespmem:s26+$0x30]  }
0x190: {  	v7 =	vld [tilespmem:s26+$0xFFFFFF30]  }
0x191: {  	v11 =	vld [tilespmem:s25+$0xFFFFFF40];
	v1 =	vmax.f32 v1, $0.0e+00  }
0x192: {  	v4 =	vadd.f32 v4, v9;
	[tilespmem:s25+$0xB0] =	vst v1;
	v1 =	vld [tilespmem:s25+$0xC0]  }
0x193: {  	v8 =	vld [tilespmem:s26+$0xC0]  }
0x194: {  	v12 =	vld [tilespmem:s25+$0xFFFFFFD0];
	v4 =	vmax.f32 v4, $0.0e+00;
	v2 =	vadd.f32 v2, v10  }
0x195: {  	v5 =	vld [tilespmem:s25+$0xFFFFFFC0];
	[tilespmem:s25+$0xFFFFFFB0] =	vst v4;
	v6 =	vadd.f32 v7, v6  }
0x196: {  	v7 =	vld [tilespmem:s26+$0xFFFFFFC0];
	v2 =	vmax.f32 v2, $0.0e+00  }
0x197: {  	v3 =	vld [tilespmem:s25+$0x40];
	[tilespmem:s25+$0x30] =	vst v2;
	v2 =	vmax.f32 v6, $0.0e+00  }
0x198: {  	v1 =	vadd.f32 v8, v1;
	v6 =	vld [tilespmem:s26+$0x40];
	[tilespmem:s25+$0xFFFFFF30] =	vst v2  }
0x199: {  	v2 =	vld [tilespmem:s26+$0xFFFFFF40]  }
0x19a: {  	v9 =	vld [tilespmem:s25+$0xFFFFFF50];
	v1 =	vmax.f32 v1, $0.0e+00  }
0x19b: {  	[tilespmem:s25+$0xC0] =	vst v1;
	v1 =	vadd.f32 v7, v5;
	v7 =	vld [tilespmem:s25+$0xD0]  }
0x19c: {  	v8 =	vld [tilespmem:s26+$0xD0]  }
0x19d: {  	v4 =	vld [tilespmem:s25+$0xFFFFFF60];
	v1 =	vmax.f32 v1, $0.0e+00;
	v3 =	vadd.f32 v6, v3  }
0x19e: {  	v10 =	vld [tilespmem:s25+$0x50];
	[tilespmem:s25+$0xFFFFFFC0] =	vst v1;
	v1 =	vadd.f32 v2, v11  }
0x19f: {  	v2 =	vld [tilespmem:s26+$0xFFFFFFD0];
	v3 =	vmax.f32 v3, $0.0e+00  }
0x1a0: {  	v5 =	vld [tilespmem:s25+$0xFFFFFFE0];
	[tilespmem:s25+$0x40] =	vst v3;
	v1 =	vmax.f32 v1, $0.0e+00  }
0x1a1: {  	v3 =	vld [tilespmem:s26+$0x50];
	v7 =	vadd.f32 v8, v7;
	[tilespmem:s25+$0xFFFFFF40] =	vst v1  }
0x1a2: {  	v1 =	vld [tilespmem:s26+$0xFFFFFF50]  }
0x1a3: {  	v6 =	vld [tilespmem:s25+$0x60];
	v7 =	vmax.f32 v7, $0.0e+00  }
0x1a4: {  	v2 =	vadd.f32 v2, v12;
	[tilespmem:s25+$0xD0] =	vst v7;
	v7 =	vld [tilespmem:s25+$0xE0]  }
0x1a5: {  	v11 =	vld [tilespmem:s26+$0xE0]  }
0x1a6: {  	v2 =	vmax.f32 v2, $0.0e+00;
	v8 =	vadd.f32 v3, v10;
	v3 =	vld [tilespmem:s25+$0xFFFFFF70]  }
0x1a7: {  	[tilespmem:s25+$0xFFFFFFD0] =	vst v2;
	v1 =	vadd.f32 v1, v9;
	v2 =	vld [tilespmem:s25+$0xFFFFFFF0]  }
0x1a8: {  	v9 =	vmax.f32 v8, $0.0e+00;
	v8 =	vld [tilespmem:s26+$0xFFFFFFE0]  }
0x1a9: {  	[tilespmem:s25+$0x50] =	vst v9;
	v9 =	vmax.f32 v1, $0.0e+00;
	v1 =	vld [tilespmem:s25+$0x70]  }
0x1aa: {  	[tilespmem:s25+$0xFFFFFF50] =	vst v9;
	v9 =	vld [tilespmem:s26+$0x60];
	v7 =	vadd.f32 v11, v7  }
0x1ab: {  	v10 =	vld [tilespmem:s26+$0xFFFFFF60]  }
0x1ac: {  	s29 =	simm.s32 $0x5600;
	s30 =	simm.s32 $0x7C00;
	s28 =	simm.s32 $0x0;
	v11 =	vmax.f32 v7, $0.0e+00;
	v7 =	vld [tilespmem:s25+$0xF0]  }
.LBB2_13:
0x1ad: {  	v12 =	vld [tilespmem:s29+$0x80];
	v5 =	vadd.f32 v8, v5;
	[tilespmem:s25+$0xE0] =	vst v11  }
0x1ae: {  	s30 =	sadd.s32 $0x200, s30;
	v8 =	vld [tilespmem:s26+$0xF0]  }
0x1af: {  	s28 =	sadd.s32 $0x4, s28;
	v11 =	vld [tilespmem:s30+$0x80];
	v5 =	vmax.f32 v5, $0.0e+00;
	v6 =	vadd.f32 v9, v6  }
0x1b0: {  	p1 =	slt.u32 s28, $0x4C;
	v9 =	vld [tilespmem:s30+$0xFFFFFF00];
	v4 =	vadd.f32 v10, v4;
	[tilespmem:s25+$0xFFFFFFE0] =	vst v5  }
0x1b1: {  	v5 =	vld [tilespmem:s29+$0xFFFFFF80];
	v6 =	vmax.f32 v6, $0.0e+00  }
0x1b2: {  	v10 =	vld [tilespmem:s30+$0xFFFFFF80];
	v4 =	vmax.f32 v4, $0.0e+00;
	[tilespmem:s25+$0x60] =	vst v6  }
0x1b3: {  	v6 =	vld [tilespmem:s29+$0x0];
	[tilespmem:s25+$0xFFFFFF60] =	vst v4;
	v4 =	vadd.f32 v8, v7  }
0x1b4: {  	v7 =	vld [tilespmem:s30+$0x0];
	v8 =	vadd.f32 v11, v12  }
0x1b5: {  	v11 =	vld [tilespmem:s29+$0xFFFFFF00];
	v4 =	vmax.f32 v4, $0.0e+00  }
0x1b6: {  	v12 =	vld [tilespmem:s29+$0xFFFFFF10];
	v8 =	vmax.f32 v8, $0.0e+00;
	[tilespmem:s25+$0xF0] =	vst v4  }
0x1b7: {  	v4 =	vadd.f32 v10, v5;
	[tilespmem:s29+$0x80] =	vst v8;
	v5 =	vld [tilespmem:s29+$0x90]  }
0x1b8: {  	v8 =	vld [tilespmem:s30+$0x90]  }
0x1b9: {  	v4 =	vmax.f32 v4, $0.0e+00;
	v10 =	vld [tilespmem:s29+$0xFFFFFF90];
	v6 =	vadd.f32 v7, v6  }
0x1ba: {  	v7 =	vadd.f32 v9, v11;
	[tilespmem:s29+$0xFFFFFF80] =	vst v4;
	v4 =	vld [tilespmem:s29+$0x10]  }
0x1bb: {  	v9 =	vld [tilespmem:s30+$0xFFFFFF90];
	v6 =	vmax.f32 v6, $0.0e+00  }
0x1bc: {  	v7 =	vmax.f32 v7, $0.0e+00;
	v11 =	vld [tilespmem:s29+$0xFFFFFF20];
	[tilespmem:s29+$0x0] =	vst v6  }
0x1bd: {  	[tilespmem:s29+$0xFFFFFF00] =	vst v7;
	v6 =	vld [tilespmem:s30+$0x10];
	v5 =	vadd.f32 v8, v5  }
0x1be: {  	v7 =	vld [tilespmem:s30+$0xFFFFFF10]  }
0x1bf: {  	v8 =	vld [tilespmem:s29+$0xFFFFFFA0];
	v5 =	vmax.f32 v5, $0.0e+00  }
0x1c0: {  	v9 =	vadd.f32 v9, v10;
	[tilespmem:s29+$0x90] =	vst v5;
	v5 =	vld [tilespmem:s29+$0xA0]  }
0x1c1: {  	v10 =	vld [tilespmem:s30+$0xA0]  }
0x1c2: {  	v9 =	vmax.f32 v9, $0.0e+00;
	v4 =	vadd.f32 v6, v4;
	v6 =	vld [tilespmem:s29+$0x20]  }
0x1c3: {  	v7 =	vadd.f32 v7, v12;
	v12 =	vld [tilespmem:s29+$0xFFFFFF30];
	[tilespmem:s29+$0xFFFFFF90] =	vst v9  }
0x1c4: {  	v9 =	vld [tilespmem:s30+$0xFFFFFFA0];
	v4 =	vmax.f32 v4, $0.0e+00  }
0x1c5: {  	v7 =	vmax.f32 v7, $0.0e+00;
	v13 =	vld [tilespmem:s29+$0xFFFFFFB0];
	[tilespmem:s29+$0x10] =	vst v4  }
0x1c6: {  	[tilespmem:s29+$0xFFFFFF10] =	vst v7;
	v4 =	vld [tilespmem:s30+$0x20];
	v5 =	vadd.f32 v10, v5  }
0x1c7: {  	v7 =	vld [tilespmem:s30+$0xFFFFFF20]  }
0x1c8: {  	v10 =	vld [tilespmem:s29+$0x30];
	v5 =	vmax.f32 v5, $0.0e+00  }
0x1c9: {  	v8 =	vadd.f32 v9, v8;
	[tilespmem:s29+$0xA0] =	vst v5;
	v5 =	vld [tilespmem:s29+$0xB0]  }
0x1ca: {  	v9 =	vld [tilespmem:s30+$0xB0]  }
0x1cb: {  	v14 =	vld [tilespmem:s29+$0xFFFFFF40];
	v8 =	vmax.f32 v8, $0.0e+00;
	v4 =	vadd.f32 v4, v6  }
0x1cc: {  	v6 =	vadd.f32 v7, v11;
	[tilespmem:s29+$0xFFFFFFA0] =	vst v8;
	v7 =	vld [tilespmem:s29+$0xFFFFFFC0]  }
0x1cd: {  	v8 =	vld [tilespmem:s30+$0xFFFFFFB0];
	v4 =	vmax.f32 v4, $0.0e+00  }
0x1ce: {  	v6 =	vmax.f32 v6, $0.0e+00;
	[tilespmem:s29+$0x20] =	vst v4;
	v11 =	vld [tilespmem:s29+$0x40]  }
0x1cf: {  	[tilespmem:s29+$0xFFFFFF20] =	vst v6;
	v4 =	vld [tilespmem:s30+$0x30];
	v5 =	vadd.f32 v9, v5  }
0x1d0: {  	v6 =	vld [tilespmem:s30+$0xFFFFFF30]  }
0x1d1: {  	v9 =	vld [tilespmem:s29+$0xFFFFFF50];
	v5 =	vmax.f32 v5, $0.0e+00  }
0x1d2: {  	v8 =	vadd.f32 v8, v13;
	[tilespmem:s29+$0xB0] =	vst v5;
	v5 =	vld [tilespmem:s29+$0xC0]  }
0x1d3: {  	v13 =	vld [tilespmem:s30+$0xC0]  }
0x1d4: {  	v8 =	vmax.f32 v8, $0.0e+00;
	v15 =	vld [tilespmem:s29+$0xFFFFFFD0];
	v4 =	vadd.f32 v4, v10  }
0x1d5: {  	v6 =	vadd.f32 v6, v12;
	[tilespmem:s29+$0xFFFFFFB0] =	vst v8;
	v8 =	vld [tilespmem:s29+$0x50]  }
0x1d6: {  	v10 =	vld [tilespmem:s30+$0xFFFFFFC0];
	v12 =	vmax.f32 v4, $0.0e+00  }
0x1d7: {  	v6 =	vmax.f32 v6, $0.0e+00;
	v4 =	vld [tilespmem:s29+$0xFFFFFF60];
	[tilespmem:s29+$0x30] =	vst v12  }
0x1d8: {  	[tilespmem:s29+$0xFFFFFF30] =	vst v6;
	v6 =	vld [tilespmem:s30+$0x40];
	v12 =	vadd.f32 v13, v5  }
0x1d9: {  	v13 =	vld [tilespmem:s30+$0xFFFFFF40]  }
0x1da: {  	v5 =	vld [tilespmem:s29+$0xFFFFFFE0];
	v12 =	vmax.f32 v12, $0.0e+00  }
0x1db: {  	v7 =	vadd.f32 v10, v7;
	[tilespmem:s29+$0xC0] =	vst v12;
	v10 =	vld [tilespmem:s29+$0xD0]  }
0x1dc: {  	v12 =	vld [tilespmem:s30+$0xD0]  }
0x1dd: {  	v7 =	vmax.f32 v7, $0.0e+00;
	v11 =	vadd.f32 v6, v11;
	v6 =	vld [tilespmem:s29+$0x60]  }
0x1de: {  	v13 =	vadd.f32 v13, v14;
	[tilespmem:s29+$0xFFFFFFC0] =	vst v7;
	v7 =	vld [tilespmem:s26+$0xFFFFFF70]  }
0x1df: {  	v14 =	vld [tilespmem:s30+$0xFFFFFFD0];
	v11 =	vmax.f32 v11, $0.0e+00  }
0x1e0: {  	v13 =	vmax.f32 v13, $0.0e+00;
	[tilespmem:s29+$0x40] =	vst v11;
	v11 =	vld [tilespmem:s26+$0xFFFFFFF0]  }
0x1e1: {  	[tilespmem:s29+$0xFFFFFF40] =	vst v13;
	v13 =	vld [tilespmem:s30+$0x50];
	v10 =	vadd.f32 v12, v10  }
0x1e2: {  	v12 =	vld [tilespmem:s30+$0xFFFFFF50]  }
0x1e3: {  	v10 =	vmax.f32 v10, $0.0e+00;
	v3 =	vadd.f32 v7, v3;
	v7 =	vld [tilespmem:s26+$0x70];
	s26 =	smov.u32 s30  }
0x1e4: {  	v14 =	vadd.f32 v14, v15;
	[tilespmem:s29+$0xD0] =	vst v10;
	v10 =	vld [tilespmem:s29+$0xE0]  }
0x1e5: {  	v15 =	vld [tilespmem:s30+$0xE0];
	v16 =	vmax.f32 v3, $0.0e+00;
	v11 =	vadd.f32 v11, v2  }
0x1e6: {  	v3 =	vld [tilespmem:s29+$0xFFFFFF70];
	v2 =	vmax.f32 v14, $0.0e+00;
	v13 =	vadd.f32 v13, v8;
	[tilespmem:s25+$0xFFFFFF70] =	vst v16  }
0x1e7: {  	v9 =	vadd.f32 v12, v9;
	[tilespmem:s29+$0xFFFFFFD0] =	vst v2;
	v2 =	vld [tilespmem:s29+$0xFFFFFFF0];
	v11 =	vmax.f32 v11, $0.0e+00  }
.Ltmp10:
0x1e8: {  	v8 =	vld [tilespmem:s30+$0xFFFFFFE0];
	v12 =	vmax.f32 v13, $0.0e+00;
	[tilespmem:s25+$0xFFFFFFF0] =	vst v11;
	v7 =	vadd.f32 v7, v1;
	(pc) =	sbr.rel @p1 .LBB2_13-.Ltmp10, $4  }
0x1e9: {  	v9 =	vmax.f32 v9, $0.0e+00;
	[tilespmem:s29+$0x50] =	vst v12;
	v1 =	vld [tilespmem:s29+$0x70]  }
0x1ea: {  	[tilespmem:s29+$0xFFFFFF50] =	vst v9;
	v9 =	vld [tilespmem:s30+$0x60];
	v11 =	vadd.f32 v15, v10;
	v7 =	vmax.f32 v7, $0.0e+00  }
0x1eb: {  	v10 =	vld [tilespmem:s30+$0xFFFFFF60];
	[tilespmem:s25+$0x70] =	vst v7;
	s25 =	smov.u32 s29  }
0x1ec: {  	s29 =	sadd.s32 $0x200, s29;
	v11 =	vmax.f32 v11, $0.0e+00;
	v7 =	vld [tilespmem:s25+$0xF0]  }
0x1ed: {  	_ = 	snop  }
0x1ee: {  	v5 =	vadd.f32 v8, v5  }
0x1ef: {  	v6 =	vadd.f32 v9, v6  }
0x1f0: {  	[tilespmem:s25+$0xE0] =	vst v11;
	v5 =	vmax.f32 v5, $0.0e+00;
	v4 =	vadd.f32 v10, v4  }
0x1f1: {  	v56 =	vld [tilespmem:s26+$0xF0];
	[tilespmem:s25+$0xFFFFFFE0] =	vst v5;
	v57 =	vmax.f32 v6, $0.0e+00  }
0x1f2: {  	v59 =	vld [tilespmem:s26+$0xFFFFFFF0];
	v4 =	vmax.f32 v4, $0.0e+00;
	[tilespmem:s25+$0x60] =	vst v57  }
0x1f3: {  	[tilespmem:s25+$0xFFFFFF60] =	vst v4;
	v60 =	vld [tilespmem:s26+$0x70]  }
0x1f4: {  	v58 =	vld [tilespmem:s26+$0xFFFFFF70];
	_ =	sdelay $0x1  }
0x1f5: {  	v7 =	vadd.f32 v56, v7  }
0x1f6: {  	v2 =	vadd.f32 v59, v2  }
0x1f7: {  	v61 =	vmax.f32 v7, $0.0e+00;
	v1 =	vadd.f32 v60, v1  }
0x1f8: {  	[tilespmem:s25+$0xF0] =	vst v61;
	v2 =	vmax.f32 v2, $0.0e+00;
	v3 =	vadd.f32 v58, v3  }
0x1f9: {  	[tilespmem:s25+$0xFFFFFFF0] =	vst v2;
	v1 =	vmax.f32 v1, $0.0e+00  }
0x1fa: {  	v3 =	vmax.f32 v3, $0.0e+00;
	[tilespmem:s25+$0x70] =	vst v1  }
0x1fb: {  	[tilespmem:s25+$0xFFFFFF70] =	vst v3  }
0x1fc: {  	_ =	swait.ge [sflag:s14], $0x50  }
0x1fd: {  	[sflag:s14] =	ssyncset.done $0x0  }
0x1fe: {  	[sflag:s14] =	ssyncadd.s32 $0xFFFFFFB0  }
0x1ff: {  	v1 =	vld [tilespmem:$0x200]  }
0x200: {  	v2 =	vld [tilespmem:$0x210]  }
0x201: {  	v3 =	vld [tilespmem:$0x220]  }
0x202: {  	v62 =	vld [tilespmem:$0x230]  }
0x203: {  	v63 =	vld [tilespmem:$0x240]  }
0x204: {  	p1 =	sgt.u32 s24, $0x7A;
	[tilespmem:$0x280] =	vst v1  }
0x205: {  	s25 =	smul.u32 @!p1 $0x50, s24;
	[tilespmem:$0x290] =	vst v2  }
0x206: {  	[tilespmem:$0x2A0] =	vst v3  }
0x207: {  	s25 =	sadd.s32 @!p1 s25, s22;
	[tilespmem:$0x2B0] =	vst v62  }
0x208: {  	s26 =	sshrl.u32 @!p1 s25, $0x3;
	[tilespmem:$0x2C0] =	vst v63  }
0x209: {  	[spmem:s4] =	stream.indirect.scatter.add.f32 [tilespmem:s17], [sflag:$0xA], $0x80, s16, s9, $0xb8;
	[tilespmem:$0x1DB80] =	vst v63  }
0x20a: {  	s29 =	simm.s32 @!p1 $0x0;
	s30 =	simm.s32 @!p1 $0x180;
	s28 =	sadd.s32 @!p1 s15, s26  }
0x20b: {  	[tilespmem:s30], [sflag:$0x6] =	stream.linear.gather @!p1 [hbm4b:s28+s29], $0x50, $0x38;
	[tilespmem:$0x1DB80] =	vst v63  }
.Ltmp11:
0x20c: {  	_ = 	snop;
	(pc) =	sbr.rel .LBB2_15-.Ltmp11, $4  }
0x20d: {  	s25 =	sshll.u32 @!p1 s25, $0x4;
	s26 =	sadd.s32 @!p1 s1, s26;
	s28 =	simm.s32 @!p1 $0x200  }
0x20e: {  	[tilespmem:s28], [sflag:$0x7] =	stream.linear.gather @!p1 [hbm4b:s26+s29], $0x50, $0x38;
	[tilespmem:$0x1DB80] =	vst v63  }
0x20f: {  	s25 =	sadd.s32 @!p1 s3, s25;
	s26 =	simm.s32 @!p1 $0x7B00  }
0x210: {  	[tilespmem:s26], [sflag:$0x9] =	stream.linear.gather @!p1 [hbm4b:s25+s29], $0x2800, $0x38;
	[tilespmem:$0x1DB80] =	vst v63  }
.LBB2_17:
0x211: {  	_ =	sfence.sel $0x180000  }
0x212: {  	[bflag:$0x0] =	sbarrier.arrive $0xFFFF  }
0x213: {  	_ =	strace $0x90000047  }
0x214: {  	s0 =	stileid.u32;
	[bflag:$0x2] =	sbarrier.arrive $0xFFFF  }
0x215: {  	p0 =	sne.s32 s0, $0x0;
	s0 =	rddreg [dreg:$0x5]  }
0x216: {  	s0 =	sadd.s32 @!p0 $0x100000, s0  }
0x217: {  	[sflag:s0] =	ssyncadd.tile.s32 @!p0 $0x1;
	_ =	shalt  }
.Lfunc_end2:
_tile_overlayer_lowered:
.L_overlay_start_2:
0x218: {  	(tag) =	ssettag $0x2  }
0x219: {  	s0 =	rddreg [dreg:$0x0];
	s2 =	stileid.u32  }
0x21a: {  	s1 =	rddreg [dreg:$0x1];
	p0 =	sne.s32 s2, $0x0  }
0x21b: {  	s3 =	rddreg [dreg:$0x2];
	[bflag:$0x3] =	sbarrier.arrive $0xFFFF;
	s2 =	simm.s32 @!p0 $0x1C0B  }
0x21c: {  	[timem:s3], [sflag:s2] =	dma.local @!p0 [hbm:s0], s1  }
0x21d: {  	s0 =	simm.s32 @!p0 $0xB  }
0x21e: {  	_ =	swait.ge @!p0 [sflag:s0], s1  }
0x21f: {  	s1 =	ssub.s32 @!p0 $0x0, s1;
	[sflag:s0] =	ssyncset.done @!p0 $0x0  }
0x220: {  	[sflag:s0] =	ssyncadd.s32 @!p0 s1  }
0x221: {  	[bflag:$0x3] =	sbarrier.arrive $0xFFFF  }
0x222: {  	_ =	shalt  }

</sc_bundles>
